<compile_context>
chip_gen: v7x
topology: tpu7x:2x2x1
jax: 0.10.2.dev20260603
libtpu: 0.0.44.dev20260713+nightly
codegen_flags: <defaults>
</compile_context>

<pallas_src>
import functools
import jax
import jax.numpy as jnp
from jax import lax
from jax.experimental import pallas as pl
from jax.experimental.pallas import tpu as pltpu, tpu_sc as plsc

NC, NS, L = 2, 16, 16
NW = NC * NS
ROWS = 16384
D = 2048
RPW = ROWS // NW
C = 8
WORDS = C * D
NCHUNK = RPW // C

_mesh = plsc.VectorSubcoreMesh(core_axis_name="c", subcore_axis_name="s")


@functools.partial(
    pl.kernel,
    out_type=jax.ShapeDtypeStruct((ROWS * D,), jnp.float32),
    mesh=_mesh,
    scratch_types=[
        pltpu.VMEM((2, WORDS), jnp.float32),
        pltpu.VMEM((2, WORDS), jnp.float32),
        pltpu.VMEM((2, WORDS), jnp.float32),
        pltpu.SemaphoreType.DMA((2,)),
        pltpu.SemaphoreType.DMA((2,)),
        pltpu.SemaphoreType.DMA((2,)),
    ],
)
def _sc_add(x_hbm, emb_hbm, out_hbm, xbuf, ebuf, obuf, xsem, esem, osem):
    wid = lax.axis_index("s") * NC + lax.axis_index("c")
    base = wid * (RPW * D)
    ebase = lax.rem(wid, 8) * (RPW * D)

    def start_in(c, slot):
        off = base + c * WORDS
        eoff = ebase + c * WORDS
        pltpu.make_async_copy(
            x_hbm.at[pl.ds(off, WORDS)], xbuf.at[slot], xsem.at[slot]
        ).start()

    def wait_in(c, slot):
        off = base + c * WORDS
        eoff = ebase + c * WORDS
        pltpu.make_async_copy(
            x_hbm.at[pl.ds(off, WORDS)], xbuf.at[slot], xsem.at[slot]
        ).wait()

    def start_out(c, slot):
        off = base + c * WORDS
        pltpu.make_async_copy(
            xbuf.at[slot], out_hbm.at[pl.ds(off, WORDS)], osem.at[slot]
        ).start()

    def wait_out(c, slot):
        off = base + c * WORDS
        pltpu.make_async_copy(
            xbuf.at[slot], out_hbm.at[pl.ds(off, WORDS)], osem.at[slot]
        ).wait()

    start_in(0, 0)
    start_in(1, 1)

    def step(g, _):
        for b in range(2):
            c = g + b
            wait_in(c, b)

            @pl.when(c >= 2)
            def _():
                wait_out(c - 2, b)

            start_out(c, b)

            @pl.when(c + 2 < NCHUNK)
            def _():
                start_in(c + 2, b)
        return 0

    lax.fori_loop(0, NCHUNK // 2, lambda g, u: step(g * 2, u), 0)
    wait_out(NCHUNK - 2, 0)
    wait_out(NCHUNK - 1, 1)


def kernel(x, emb_table):
    b, s, d = x.shape
    out = _sc_add(x.reshape(-1), emb_table.reshape(-1))
    return out.reshape(b, s, d)

# --- scband reference (transcript-rebuilt; emitter-appended) ---
"""Pipeline reference for scband-learned-positional-embedding-7121055777186 (READ-ONLY COPY).

The authoritative reference and input builder live on the scoring server;
editing this copy changes nothing except your own understanding.
"""

import jax, jax.numpy as jnp
import numpy as np

MAX_LEN = 8192
D_MODEL = 2048
BATCH = 4
SEQ_LEN = 4096

def setup_inputs(seed: int = 0) -> dict:
    key = jax.random.key(seed)
    k1, k2 = jax.random.split(key)
    x = jax.random.normal(k1, (BATCH, SEQ_LEN, D_MODEL), dtype=jnp.float32)
    # learned positional embedding table, init like nn.Embedding (N(0,1))
    emb_table = jax.random.normal(k2, (MAX_LEN, D_MODEL), dtype=jnp.float32)
    return {"x": x, "emb_table": emb_table}

def reference(x, emb_table):
    batch_size, seq_len, _ = x.shape
    positions = jnp.arange(seq_len)[None, :]
    positions = jnp.broadcast_to(positions, (batch_size, seq_len))
    pos_emb = jnp.take(emb_table, positions, axis=0)  # [B, S, d_model]
    out = x + pos_emb
    # dropout is identity in eval mode
    return out

if __name__ == "__main__":
    import jax
    _d = setup_inputs()
    print(jax.jit(kernel)(*tuple(_d.values())))

</pallas_src>

<mosaic_0001>
#map = affine_map<(d0, d1) -> (0)>
module attributes {stable_mosaic.version = 14 : i64} {
  func.func @_sc_add(%arg0: i32, %arg1: i32, %arg2: memref<33554432xf32, #tpu.memory_space<hbm>>, %arg3: memref<16777216xf32, #tpu.memory_space<hbm>>, %arg4: memref<33554432xf32, #tpu.memory_space<hbm>>, %arg5: memref<2x16384xf32, #tpu.memory_space<vmem>>, %arg6: memref<2x16384xf32, #tpu.memory_space<vmem>>, %arg7: memref<2x16384xf32, #tpu.memory_space<vmem>>, %arg8: memref<2x!tpu.dma_semaphore, #tpu.memory_space<semaphore_mem>>, %arg9: memref<2x!tpu.dma_semaphore, #tpu.memory_space<semaphore_mem>>, %arg10: memref<2x!tpu.dma_semaphore, #tpu.memory_space<semaphore_mem>>) attributes {dimension_semantics = [#tpu.dimension_semantics<core_parallel>, #tpu.dimension_semantics<subcore_parallel>], iteration_bounds = array<i64: 2, 16>, scalar_prefetch = 0 : i64, scratch_operands = 6 : i64, tpu.core_type = #tpu.core_type<sc_vector_subcore>, window_params = [{transform_indices = #map}, {transform_indices = #map}, {transform_indices = #map}]} {
    %mul3A = arith.constant 2 : i32
    %mul3A_0 = arith.muli %arg1, %mul3A : i32
    %add3A = arith.addi %mul3A_0, %arg0 : i32
    %mul3A_1 = arith.constant 1048576 : i32
    %mul3A_2 = arith.muli %add3A, %mul3A_1 : i32
    %rem3A = arith.constant 8 : i32
    %rem3A_3 = arith.remsi %add3A, %rem3A : i32
    %mul3A_4 = arith.constant 1048576 : i32
    %mul3A_5 = arith.muli %rem3A_3, %mul3A_4 : i32
    %add3A_6 = arith.constant 0 : i32
    %add3A_7 = arith.addi %mul3A_2, %add3A_6 : i32
    %add3A_8 = arith.constant 0 : i32
    %add3A_9 = arith.addi %mul3A_5, %add3A_8 : i32
    %dma_start3A = arith.constant 0 : i32
    %dma_start3A_10 = arith.constant 0 : i32
    %dma_start3A_11 = arith.constant 0 : i32
    %dma_start3A_12 = tpu.memref_slice %arg5[%dma_start3A, %dma_start3A_11] : memref<2x16384xf32, #tpu.memory_space<vmem>> -> memref<1x16384xf32, #tpu.memory_space<vmem>>
    %dma_start3A_13 = tpu.memref_squeeze %dma_start3A_12 : memref<1x16384xf32, #tpu.memory_space<vmem>> -> memref<16384xf32, #tpu.memory_space<vmem>>
    %dma_start3A_14 = tpu.memref_slice %arg2[%add3A_7] : memref<33554432xf32, #tpu.memory_space<hbm>> -> memref<16384xf32, #tpu.memory_space<hbm>>
    %dma_start3A_15 = tpu.memref_slice %arg8[%dma_start3A_10] : memref<2x!tpu.dma_semaphore, #tpu.memory_space<semaphore_mem>> -> memref<1x!tpu.dma_semaphore, #tpu.memory_space<semaphore_mem>>
    %dma_start3A_16 = tpu.memref_squeeze %dma_start3A_15 : memref<1x!tpu.dma_semaphore, #tpu.memory_space<semaphore_mem>> -> memref<!tpu.dma_semaphore, #tpu.memory_space<semaphore_mem>>
    %dma_start3A_17 = arith.constant 0 : i32
    %dma_start3A_18 = tpu.memref_slice %arg5[%dma_start3A, %dma_start3A_17] : memref<2x16384xf32, #tpu.memory_space<vmem>> -> memref<1x16384xf32, #tpu.memory_space<vmem>>
    %dma_start3A_19 = tpu.memref_squeeze %dma_start3A_18 : memref<1x16384xf32, #tpu.memory_space<vmem>> -> memref<16384xf32, #tpu.memory_space<vmem>>
    %dma_start3A_20 = tpu.memref_slice %arg2[%add3A_7] : memref<33554432xf32, #tpu.memory_space<hbm>> -> memref<16384xf32, #tpu.memory_space<hbm>>
    tpu.enqueue_dma source(%dma_start3A_20 : memref<16384xf32, #tpu.memory_space<hbm>>) target(%dma_start3A_19 : memref<16384xf32, #tpu.memory_space<vmem>>) target_semaphore(%dma_start3A_16 : memref<!tpu.dma_semaphore, #tpu.memory_space<semaphore_mem>>)
    %add3A_21 = arith.constant 16384 : i32
    %add3A_22 = arith.addi %mul3A_2, %add3A_21 : i32
    %add3A_23 = arith.constant 16384 : i32
    %add3A_24 = arith.addi %mul3A_5, %add3A_23 : i32
    %dma_start3A_25 = arith.constant 1 : i32
    %dma_start3A_26 = arith.constant 1 : i32
    %dma_start3A_27 = arith.constant 0 : i32
    %dma_start3A_28 = tpu.memref_slice %arg5[%dma_start3A_25, %dma_start3A_27] : memref<2x16384xf32, #tpu.memory_space<vmem>> -> memref<1x16384xf32, #tpu.memory_space<vmem>>
    %dma_start3A_29 = tpu.memref_squeeze %dma_start3A_28 : memref<1x16384xf32, #tpu.memory_space<vmem>> -> memref<16384xf32, #tpu.memory_space<vmem>>
    %dma_start3A_30 = tpu.memref_slice %arg2[%add3A_22] : memref<33554432xf32, #tpu.memory_space<hbm>> -> memref<16384xf32, #tpu.memory_space<hbm>>
    %dma_start3A_31 = tpu.memref_slice %arg8[%dma_start3A_26] : memref<2x!tpu.dma_semaphore, #tpu.memory_space<semaphore_mem>> -> memref<1x!tpu.dma_semaphore, #tpu.memory_space<semaphore_mem>>
    %dma_start3A_32 = tpu.memref_squeeze %dma_start3A_31 : memref<1x!tpu.dma_semaphore, #tpu.memory_space<semaphore_mem>> -> memref<!tpu.dma_semaphore, #tpu.memory_space<semaphore_mem>>
    %dma_start3A_33 = arith.constant 0 : i32
    %dma_start3A_34 = tpu.memref_slice %arg5[%dma_start3A_25, %dma_start3A_33] : memref<2x16384xf32, #tpu.memory_space<vmem>> -> memref<1x16384xf32, #tpu.memory_space<vmem>>
    %dma_start3A_35 = tpu.memref_squeeze %dma_start3A_34 : memref<1x16384xf32, #tpu.memory_space<vmem>> -> memref<16384xf32, #tpu.memory_space<vmem>>
    %dma_start3A_36 = tpu.memref_slice %arg2[%add3A_22] : memref<33554432xf32, #tpu.memory_space<hbm>> -> memref<16384xf32, #tpu.memory_space<hbm>>
    tpu.enqueue_dma source(%dma_start3A_36 : memref<16384xf32, #tpu.memory_space<hbm>>) target(%dma_start3A_35 : memref<16384xf32, #tpu.memory_space<vmem>>) target_semaphore(%dma_start3A_32 : memref<!tpu.dma_semaphore, #tpu.memory_space<semaphore_mem>>)
    %scan3A = arith.constant 0 : i32
    %scan3A_37 = arith.constant 0 : i32
    %scan3A_38 = arith.constant 32 : i32
    %scan3A_39 = arith.addi %scan3A_37, %scan3A_38 : i32
    %scan3A_40 = arith.constant 1 : i32
    %scan3A_41 = scf.for %scan3A_70 = %scan3A_37 to %scan3A_39 step %scan3A_40 iter_args(%scan3A_71 = %scan3A) -> (i32)  : i32 {
      %mul3A_72 = arith.constant 2 : i32
      %mul3A_73 = arith.muli %scan3A_70, %mul3A_72 : i32
      %add3A_74 = arith.constant 0 : i32
      %add3A_75 = arith.addi %mul3A_73, %add3A_74 : i32
      %mul3A_76 = arith.constant 16384 : i32
      %mul3A_77 = arith.muli %add3A_75, %mul3A_76 : i32
      %add3A_78 = arith.addi %mul3A_2, %mul3A_77 : i32
      %mul3A_79 = arith.constant 16384 : i32
      %mul3A_80 = arith.muli %add3A_75, %mul3A_79 : i32
      %add3A_81 = arith.addi %mul3A_5, %mul3A_80 : i32
      %dma_wait3A_82 = arith.constant 0 : i32
      %dma_wait3A_83 = arith.constant 0 : i32
      %dma_wait3A_84 = arith.constant 0 : i32
      %dma_wait3A_85 = tpu.memref_slice %arg5[%dma_wait3A_82, %dma_wait3A_84] : memref<2x16384xf32, #tpu.memory_space<vmem>> -> memref<1x16384xf32, #tpu.memory_space<vmem>>
      %dma_wait3A_86 = tpu.memref_squeeze %dma_wait3A_85 : memref<1x16384xf32, #tpu.memory_space<vmem>> -> memref<16384xf32, #tpu.memory_space<vmem>>
      %dma_wait3A_87 = tpu.memref_slice %arg2[%add3A_78] : memref<33554432xf32, #tpu.memory_space<hbm>> -> memref<16384xf32, #tpu.memory_space<hbm>>
      %dma_wait3A_88 = tpu.memref_slice %arg8[%dma_wait3A_83] : memref<2x!tpu.dma_semaphore, #tpu.memory_space<semaphore_mem>> -> memref<1x!tpu.dma_semaphore, #tpu.memory_space<semaphore_mem>>
      %dma_wait3A_89 = tpu.memref_squeeze %dma_wait3A_88 : memref<1x!tpu.dma_semaphore, #tpu.memory_space<semaphore_mem>> -> memref<!tpu.dma_semaphore, #tpu.memory_space<semaphore_mem>>
      %dma_wait3A_90 = arith.constant 0 : i32
      %dma_wait3A_91 = tpu.memref_slice %arg5[%dma_wait3A_82, %dma_wait3A_90] : memref<2x16384xf32, #tpu.memory_space<vmem>> -> memref<1x16384xf32, #tpu.memory_space<vmem>>
      %dma_wait3A_92 = tpu.memref_squeeze %dma_wait3A_91 : memref<1x16384xf32, #tpu.memory_space<vmem>> -> memref<16384xf32, #tpu.memory_space<vmem>>
      %dma_wait3A_93 = tpu.memref_slice %arg2[%add3A_78] : memref<33554432xf32, #tpu.memory_space<hbm>> -> memref<16384xf32, #tpu.memory_space<hbm>>
      tpu.wait_dma2 semaphore(%dma_wait3A_89 : memref<!tpu.dma_semaphore, #tpu.memory_space<semaphore_mem>>) src(%dma_wait3A_93 : memref<16384xf32, #tpu.memory_space<hbm>>) dst(%dma_wait3A_92 : memref<16384xf32, #tpu.memory_space<vmem>>)
      %ge3A = arith.constant 2 : i32
      %ge3A_94 = arith.cmpi sge, %add3A_75, %ge3A : i32
      %convert_element_type3A = arith.extui %ge3A_94 : i1 to i32
      %cond3A = arith.constant 0 : i32
      %cond3A_95 = arith.cmpi ne, %convert_element_type3A, %cond3A : i32
      scf.if %cond3A_95 {
        %sub3A = arith.constant 2 : i32
        %sub3A_165 = arith.subi %add3A_75, %sub3A : i32
        %mul3A_166 = arith.constant 16384 : i32
        %mul3A_167 = arith.muli %sub3A_165, %mul3A_166 : i32
        %add3A_168 = arith.addi %mul3A_2, %mul3A_167 : i32
        %dma_wait3A_169 = arith.constant 0 : i32
        %dma_wait3A_170 = arith.constant 0 : i32
        %dma_wait3A_171 = arith.constant 0 : i32
        %dma_wait3A_172 = tpu.memref_slice %arg5[%dma_wait3A_169, %dma_wait3A_171] : memref<2x16384xf32, #tpu.memory_space<vmem>> -> memref<1x16384xf32, #tpu.memory_space<vmem>>
        %dma_wait3A_173 = tpu.memref_squeeze %dma_wait3A_172 : memref<1x16384xf32, #tpu.memory_space<vmem>> -> memref<16384xf32, #tpu.memory_space<vmem>>
        %dma_wait3A_174 = tpu.memref_slice %arg4[%add3A_168] : memref<33554432xf32, #tpu.memory_space<hbm>> -> memref<16384xf32, #tpu.memory_space<hbm>>
        %dma_wait3A_175 = tpu.memref_slice %arg10[%dma_wait3A_170] : memref<2x!tpu.dma_semaphore, #tpu.memory_space<semaphore_mem>> -> memref<1x!tpu.dma_semaphore, #tpu.memory_space<semaphore_mem>>
        %dma_wait3A_176 = tpu.memref_squeeze %dma_wait3A_175 : memref<1x!tpu.dma_semaphore, #tpu.memory_space<semaphore_mem>> -> memref<!tpu.dma_semaphore, #tpu.memory_space<semaphore_mem>>
        %dma_wait3A_177 = tpu.memref_slice %arg4[%add3A_168] : memref<33554432xf32, #tpu.memory_space<hbm>> -> memref<16384xf32, #tpu.memory_space<hbm>>
        %dma_wait3A_178 = arith.constant 0 : i32
        %dma_wait3A_179 = tpu.memref_slice %arg5[%dma_wait3A_169, %dma_wait3A_178] : memref<2x16384xf32, #tpu.memory_space<vmem>> -> memref<1x16384xf32, #tpu.memory_space<vmem>>
        %dma_wait3A_180 = tpu.memref_squeeze %dma_wait3A_179 : memref<1x16384xf32, #tpu.memory_space<vmem>> -> memref<16384xf32, #tpu.memory_space<vmem>>
        tpu.wait_dma2 semaphore(%dma_wait3A_176 : memref<!tpu.dma_semaphore, #tpu.memory_space<semaphore_mem>>) src(%dma_wait3A_180 : memref<16384xf32, #tpu.memory_space<vmem>>) dst(%dma_wait3A_177 : memref<16384xf32, #tpu.memory_space<hbm>>)
      } else {
      }
      %mul3A_96 = arith.constant 16384 : i32
      %mul3A_97 = arith.muli %add3A_75, %mul3A_96 : i32
      %add3A_98 = arith.addi %mul3A_2, %mul3A_97 : i32
      %dma_start3A_99 = arith.constant 0 : i32
      %dma_start3A_100 = arith.constant 0 : i32
      %dma_start3A_101 = arith.constant 0 : i32
      %dma_start3A_102 = tpu.memref_slice %arg5[%dma_start3A_99, %dma_start3A_101] : memref<2x16384xf32, #tpu.memory_space<vmem>> -> memref<1x16384xf32, #tpu.memory_space<vmem>>
      %dma_start3A_103 = tpu.memref_squeeze %dma_start3A_102 : memref<1x16384xf32, #tpu.memory_space<vmem>> -> memref<16384xf32, #tpu.memory_space<vmem>>
      %dma_start3A_104 = tpu.memref_slice %arg4[%add3A_98] : memref<33554432xf32, #tpu.memory_space<hbm>> -> memref<16384xf32, #tpu.memory_space<hbm>>
      %dma_start3A_105 = tpu.memref_slice %arg10[%dma_start3A_100] : memref<2x!tpu.dma_semaphore, #tpu.memory_space<semaphore_mem>> -> memref<1x!tpu.dma_semaphore, #tpu.memory_space<semaphore_mem>>
      %dma_start3A_106 = tpu.memref_squeeze %dma_start3A_105 : memref<1x!tpu.dma_semaphore, #tpu.memory_space<semaphore_mem>> -> memref<!tpu.dma_semaphore, #tpu.memory_space<semaphore_mem>>
      %dma_start3A_107 = tpu.memref_slice %arg4[%add3A_98] : memref<33554432xf32, #tpu.memory_space<hbm>> -> memref<16384xf32, #tpu.memory_space<hbm>>
      %dma_start3A_108 = arith.constant 0 : i32
      %dma_start3A_109 = tpu.memref_slice %arg5[%dma_start3A_99, %dma_start3A_108] : memref<2x16384xf32, #tpu.memory_space<vmem>> -> memref<1x16384xf32, #tpu.memory_space<vmem>>
      %dma_start3A_110 = tpu.memref_squeeze %dma_start3A_109 : memref<1x16384xf32, #tpu.memory_space<vmem>> -> memref<16384xf32, #tpu.memory_space<vmem>>
      tpu.enqueue_dma source(%dma_start3A_110 : memref<16384xf32, #tpu.memory_space<vmem>>) target(%dma_start3A_107 : memref<16384xf32, #tpu.memory_space<hbm>>) target_semaphore(%dma_start3A_106 : memref<!tpu.dma_semaphore, #tpu.memory_space<semaphore_mem>>)
      %add3A_111 = arith.constant 2 : i32
      %add3A_112 = arith.addi %add3A_75, %add3A_111 : i32
      %lt3A = arith.constant 64 : i32
      %lt3A_113 = arith.cmpi slt, %add3A_112, %lt3A : i32
      %convert_element_type3A_114 = arith.extui %lt3A_113 : i1 to i32
      %cond3A_115 = arith.constant 0 : i32
      %cond3A_116 = arith.cmpi ne, %convert_element_type3A_114, %cond3A_115 : i32
      scf.if %cond3A_116 {
        %add3A_165 = arith.constant 2 : i32
        %add3A_166 = arith.addi %add3A_75, %add3A_165 : i32
        %mul3A_167 = arith.constant 16384 : i32
        %mul3A_168 = arith.muli %add3A_166, %mul3A_167 : i32
        %add3A_169 = arith.addi %mul3A_2, %mul3A_168 : i32
        %mul3A_170 = arith.constant 16384 : i32
        %mul3A_171 = arith.muli %add3A_166, %mul3A_170 : i32
        %add3A_172 = arith.addi %mul3A_5, %mul3A_171 : i32
        %dma_start3A_173 = arith.constant 0 : i32
        %dma_start3A_174 = arith.constant 0 : i32
        %dma_start3A_175 = arith.constant 0 : i32
        %dma_start3A_176 = tpu.memref_slice %arg5[%dma_start3A_173, %dma_start3A_175] : memref<2x16384xf32, #tpu.memory_space<vmem>> -> memref<1x16384xf32, #tpu.memory_space<vmem>>
        %dma_start3A_177 = tpu.memref_squeeze %dma_start3A_176 : memref<1x16384xf32, #tpu.memory_space<vmem>> -> memref<16384xf32, #tpu.memory_space<vmem>>
        %dma_start3A_178 = tpu.memref_slice %arg2[%add3A_169] : memref<33554432xf32, #tpu.memory_space<hbm>> -> memref<16384xf32, #tpu.memory_space<hbm>>
        %dma_start3A_179 = tpu.memref_slice %arg8[%dma_start3A_174] : memref<2x!tpu.dma_semaphore, #tpu.memory_space<semaphore_mem>> -> memref<1x!tpu.dma_semaphore, #tpu.memory_space<semaphore_mem>>
        %dma_start3A_180 = tpu.memref_squeeze %dma_start3A_179 : memref<1x!tpu.dma_semaphore, #tpu.memory_space<semaphore_mem>> -> memref<!tpu.dma_semaphore, #tpu.memory_space<semaphore_mem>>
        %dma_start3A_181 = arith.constant 0 : i32
        %dma_start3A_182 = tpu.memref_slice %arg5[%dma_start3A_173, %dma_start3A_181] : memref<2x16384xf32, #tpu.memory_space<vmem>> -> memref<1x16384xf32, #tpu.memory_space<vmem>>
        %dma_start3A_183 = tpu.memref_squeeze %dma_start3A_182 : memref<1x16384xf32, #tpu.memory_space<vmem>> -> memref<16384xf32, #tpu.memory_space<vmem>>
        %dma_start3A_184 = tpu.memref_slice %arg2[%add3A_169] : memref<33554432xf32, #tpu.memory_space<hbm>> -> memref<16384xf32, #tpu.memory_space<hbm>>
        tpu.enqueue_dma source(%dma_start3A_184 : memref<16384xf32, #tpu.memory_space<hbm>>) target(%dma_start3A_183 : memref<16384xf32, #tpu.memory_space<vmem>>) target_semaphore(%dma_start3A_180 : memref<!tpu.dma_semaphore, #tpu.memory_space<semaphore_mem>>)
      } else {
      }
      %add3A_117 = arith.constant 1 : i32
      %add3A_118 = arith.addi %mul3A_73, %add3A_117 : i32
      %mul3A_119 = arith.constant 16384 : i32
      %mul3A_120 = arith.muli %add3A_118, %mul3A_119 : i32
      %add3A_121 = arith.addi %mul3A_2, %mul3A_120 : i32
      %mul3A_122 = arith.constant 16384 : i32
      %mul3A_123 = arith.muli %add3A_118, %mul3A_122 : i32
      %add3A_124 = arith.addi %mul3A_5, %mul3A_123 : i32
      %dma_wait3A_125 = arith.constant 1 : i32
      %dma_wait3A_126 = arith.constant 1 : i32
      %dma_wait3A_127 = arith.constant 0 : i32
      %dma_wait3A_128 = tpu.memref_slice %arg5[%dma_wait3A_125, %dma_wait3A_127] : memref<2x16384xf32, #tpu.memory_space<vmem>> -> memref<1x16384xf32, #tpu.memory_space<vmem>>
      %dma_wait3A_129 = tpu.memref_squeeze %dma_wait3A_128 : memref<1x16384xf32, #tpu.memory_space<vmem>> -> memref<16384xf32, #tpu.memory_space<vmem>>
      %dma_wait3A_130 = tpu.memref_slice %arg2[%add3A_121] : memref<33554432xf32, #tpu.memory_space<hbm>> -> memref<16384xf32, #tpu.memory_space<hbm>>
      %dma_wait3A_131 = tpu.memref_slice %arg8[%dma_wait3A_126] : memref<2x!tpu.dma_semaphore, #tpu.memory_space<semaphore_mem>> -> memref<1x!tpu.dma_semaphore, #tpu.memory_space<semaphore_mem>>
      %dma_wait3A_132 = tpu.memref_squeeze %dma_wait3A_131 : memref<1x!tpu.dma_semaphore, #tpu.memory_space<semaphore_mem>> -> memref<!tpu.dma_semaphore, #tpu.memory_space<semaphore_mem>>
      %dma_wait3A_133 = arith.constant 0 : i32
      %dma_wait3A_134 = tpu.memref_slice %arg5[%dma_wait3A_125, %dma_wait3A_133] : memref<2x16384xf32, #tpu.memory_space<vmem>> -> memref<1x16384xf32, #tpu.memory_space<vmem>>
      %dma_wait3A_135 = tpu.memref_squeeze %dma_wait3A_134 : memref<1x16384xf32, #tpu.memory_space<vmem>> -> memref<16384xf32, #tpu.memory_space<vmem>>
      %dma_wait3A_136 = tpu.memref_slice %arg2[%add3A_121] : memref<33554432xf32, #tpu.memory_space<hbm>> -> memref<16384xf32, #tpu.memory_space<hbm>>
      tpu.wait_dma2 semaphore(%dma_wait3A_132 : memref<!tpu.dma_semaphore, #tpu.memory_space<semaphore_mem>>) src(%dma_wait3A_136 : memref<16384xf32, #tpu.memory_space<hbm>>) dst(%dma_wait3A_135 : memref<16384xf32, #tpu.memory_space<vmem>>)
      %ge3A_137 = arith.constant 2 : i32
      %ge3A_138 = arith.cmpi sge, %add3A_118, %ge3A_137 : i32
      %convert_element_type3A_139 = arith.extui %ge3A_138 : i1 to i32
      %cond3A_140 = arith.constant 0 : i32
      %cond3A_141 = arith.cmpi ne, %convert_element_type3A_139, %cond3A_140 : i32
      scf.if %cond3A_141 {
        %sub3A = arith.constant 2 : i32
        %sub3A_165 = arith.subi %add3A_118, %sub3A : i32
        %mul3A_166 = arith.constant 16384 : i32
        %mul3A_167 = arith.muli %sub3A_165, %mul3A_166 : i32
        %add3A_168 = arith.addi %mul3A_2, %mul3A_167 : i32
        %dma_wait3A_169 = arith.constant 1 : i32
        %dma_wait3A_170 = arith.constant 1 : i32
        %dma_wait3A_171 = arith.constant 0 : i32
        %dma_wait3A_172 = tpu.memref_slice %arg5[%dma_wait3A_169, %dma_wait3A_171] : memref<2x16384xf32, #tpu.memory_space<vmem>> -> memref<1x16384xf32, #tpu.memory_space<vmem>>
        %dma_wait3A_173 = tpu.memref_squeeze %dma_wait3A_172 : memref<1x16384xf32, #tpu.memory_space<vmem>> -> memref<16384xf32, #tpu.memory_space<vmem>>
        %dma_wait3A_174 = tpu.memref_slice %arg4[%add3A_168] : memref<33554432xf32, #tpu.memory_space<hbm>> -> memref<16384xf32, #tpu.memory_space<hbm>>
        %dma_wait3A_175 = tpu.memref_slice %arg10[%dma_wait3A_170] : memref<2x!tpu.dma_semaphore, #tpu.memory_space<semaphore_mem>> -> memref<1x!tpu.dma_semaphore, #tpu.memory_space<semaphore_mem>>
        %dma_wait3A_176 = tpu.memref_squeeze %dma_wait3A_175 : memref<1x!tpu.dma_semaphore, #tpu.memory_space<semaphore_mem>> -> memref<!tpu.dma_semaphore, #tpu.memory_space<semaphore_mem>>
        %dma_wait3A_177 = tpu.memref_slice %arg4[%add3A_168] : memref<33554432xf32, #tpu.memory_space<hbm>> -> memref<16384xf32, #tpu.memory_space<hbm>>
        %dma_wait3A_178 = arith.constant 0 : i32
        %dma_wait3A_179 = tpu.memref_slice %arg5[%dma_wait3A_169, %dma_wait3A_178] : memref<2x16384xf32, #tpu.memory_space<vmem>> -> memref<1x16384xf32, #tpu.memory_space<vmem>>
        %dma_wait3A_180 = tpu.memref_squeeze %dma_wait3A_179 : memref<1x16384xf32, #tpu.memory_space<vmem>> -> memref<16384xf32, #tpu.memory_space<vmem>>
        tpu.wait_dma2 semaphore(%dma_wait3A_176 : memref<!tpu.dma_semaphore, #tpu.memory_space<semaphore_mem>>) src(%dma_wait3A_180 : memref<16384xf32, #tpu.memory_space<vmem>>) dst(%dma_wait3A_177 : memref<16384xf32, #tpu.memory_space<hbm>>)
      } else {
      }
      %mul3A_142 = arith.constant 16384 : i32
      %mul3A_143 = arith.muli %add3A_118, %mul3A_142 : i32
      %add3A_144 = arith.addi %mul3A_2, %mul3A_143 : i32
      %dma_start3A_145 = arith.constant 1 : i32
      %dma_start3A_146 = arith.constant 1 : i32
      %dma_start3A_147 = arith.constant 0 : i32
      %dma_start3A_148 = tpu.memref_slice %arg5[%dma_start3A_145, %dma_start3A_147] : memref<2x16384xf32, #tpu.memory_space<vmem>> -> memref<1x16384xf32, #tpu.memory_space<vmem>>
      %dma_start3A_149 = tpu.memref_squeeze %dma_start3A_148 : memref<1x16384xf32, #tpu.memory_space<vmem>> -> memref<16384xf32, #tpu.memory_space<vmem>>
      %dma_start3A_150 = tpu.memref_slice %arg4[%add3A_144] : memref<33554432xf32, #tpu.memory_space<hbm>> -> memref<16384xf32, #tpu.memory_space<hbm>>
      %dma_start3A_151 = tpu.memref_slice %arg10[%dma_start3A_146] : memref<2x!tpu.dma_semaphore, #tpu.memory_space<semaphore_mem>> -> memref<1x!tpu.dma_semaphore, #tpu.memory_space<semaphore_mem>>
      %dma_start3A_152 = tpu.memref_squeeze %dma_start3A_151 : memref<1x!tpu.dma_semaphore, #tpu.memory_space<semaphore_mem>> -> memref<!tpu.dma_semaphore, #tpu.memory_space<semaphore_mem>>
      %dma_start3A_153 = tpu.memref_slice %arg4[%add3A_144] : memref<33554432xf32, #tpu.memory_space<hbm>> -> memref<16384xf32, #tpu.memory_space<hbm>>
      %dma_start3A_154 = arith.constant 0 : i32
      %dma_start3A_155 = tpu.memref_slice %arg5[%dma_start3A_145, %dma_start3A_154] : memref<2x16384xf32, #tpu.memory_space<vmem>> -> memref<1x16384xf32, #tpu.memory_space<vmem>>
      %dma_start3A_156 = tpu.memref_squeeze %dma_start3A_155 : memref<1x16384xf32, #tpu.memory_space<vmem>> -> memref<16384xf32, #tpu.memory_space<vmem>>
      tpu.enqueue_dma source(%dma_start3A_156 : memref<16384xf32, #tpu.memory_space<vmem>>) target(%dma_start3A_153 : memref<16384xf32, #tpu.memory_space<hbm>>) target_semaphore(%dma_start3A_152 : memref<!tpu.dma_semaphore, #tpu.memory_space<semaphore_mem>>)
      %add3A_157 = arith.constant 2 : i32
      %add3A_158 = arith.addi %add3A_118, %add3A_157 : i32
      %lt3A_159 = arith.constant 64 : i32
      %lt3A_160 = arith.cmpi slt, %add3A_158, %lt3A_159 : i32
      %convert_element_type3A_161 = arith.extui %lt3A_160 : i1 to i32
      %cond3A_162 = arith.constant 0 : i32
      %cond3A_163 = arith.cmpi ne, %convert_element_type3A_161, %cond3A_162 : i32
      scf.if %cond3A_163 {
        %add3A_165 = arith.constant 2 : i32
        %add3A_166 = arith.addi %add3A_118, %add3A_165 : i32
        %mul3A_167 = arith.constant 16384 : i32
        %mul3A_168 = arith.muli %add3A_166, %mul3A_167 : i32
        %add3A_169 = arith.addi %mul3A_2, %mul3A_168 : i32
        %mul3A_170 = arith.constant 16384 : i32
        %mul3A_171 = arith.muli %add3A_166, %mul3A_170 : i32
        %add3A_172 = arith.addi %mul3A_5, %mul3A_171 : i32
        %dma_start3A_173 = arith.constant 1 : i32
        %dma_start3A_174 = arith.constant 1 : i32
        %dma_start3A_175 = arith.constant 0 : i32
        %dma_start3A_176 = tpu.memref_slice %arg5[%dma_start3A_173, %dma_start3A_175] : memref<2x16384xf32, #tpu.memory_space<vmem>> -> memref<1x16384xf32, #tpu.memory_space<vmem>>
        %dma_start3A_177 = tpu.memref_squeeze %dma_start3A_176 : memref<1x16384xf32, #tpu.memory_space<vmem>> -> memref<16384xf32, #tpu.memory_space<vmem>>
        %dma_start3A_178 = tpu.memref_slice %arg2[%add3A_169] : memref<33554432xf32, #tpu.memory_space<hbm>> -> memref<16384xf32, #tpu.memory_space<hbm>>
        %dma_start3A_179 = tpu.memref_slice %arg8[%dma_start3A_174] : memref<2x!tpu.dma_semaphore, #tpu.memory_space<semaphore_mem>> -> memref<1x!tpu.dma_semaphore, #tpu.memory_space<semaphore_mem>>
        %dma_start3A_180 = tpu.memref_squeeze %dma_start3A_179 : memref<1x!tpu.dma_semaphore, #tpu.memory_space<semaphore_mem>> -> memref<!tpu.dma_semaphore, #tpu.memory_space<semaphore_mem>>
        %dma_start3A_181 = arith.constant 0 : i32
        %dma_start3A_182 = tpu.memref_slice %arg5[%dma_start3A_173, %dma_start3A_181] : memref<2x16384xf32, #tpu.memory_space<vmem>> -> memref<1x16384xf32, #tpu.memory_space<vmem>>
        %dma_start3A_183 = tpu.memref_squeeze %dma_start3A_182 : memref<1x16384xf32, #tpu.memory_space<vmem>> -> memref<16384xf32, #tpu.memory_space<vmem>>
        %dma_start3A_184 = tpu.memref_slice %arg2[%add3A_169] : memref<33554432xf32, #tpu.memory_space<hbm>> -> memref<16384xf32, #tpu.memory_space<hbm>>
        tpu.enqueue_dma source(%dma_start3A_184 : memref<16384xf32, #tpu.memory_space<hbm>>) target(%dma_start3A_183 : memref<16384xf32, #tpu.memory_space<vmem>>) target_semaphore(%dma_start3A_180 : memref<!tpu.dma_semaphore, #tpu.memory_space<semaphore_mem>>)
      } else {
      }
      %scan3A_164 = arith.constant 0 : i32
      scf.yield %scan3A_164 : i32
    }
    %scan3A_42 = arith.constant 32 : i32
    %add3A_43 = arith.constant 1015808 : i32
    %add3A_44 = arith.addi %mul3A_2, %add3A_43 : i32
    %dma_wait3A = arith.constant 0 : i32
    %dma_wait3A_45 = arith.constant 0 : i32
    %dma_wait3A_46 = arith.constant 0 : i32
    %dma_wait3A_47 = tpu.memref_slice %arg5[%dma_wait3A, %dma_wait3A_46] : memref<2x16384xf32, #tpu.memory_space<vmem>> -> memref<1x16384xf32, #tpu.memory_space<vmem>>
    %dma_wait3A_48 = tpu.memref_squeeze %dma_wait3A_47 : memref<1x16384xf32, #tpu.memory_space<vmem>> -> memref<16384xf32, #tpu.memory_space<vmem>>
    %dma_wait3A_49 = tpu.memref_slice %arg4[%add3A_44] : memref<33554432xf32, #tpu.memory_space<hbm>> -> memref<16384xf32, #tpu.memory_space<hbm>>
    %dma_wait3A_50 = tpu.memref_slice %arg10[%dma_wait3A_45] : memref<2x!tpu.dma_semaphore, #tpu.memory_space<semaphore_mem>> -> memref<1x!tpu.dma_semaphore, #tpu.memory_space<semaphore_mem>>
    %dma_wait3A_51 = tpu.memref_squeeze %dma_wait3A_50 : memref<1x!tpu.dma_semaphore, #tpu.memory_space<semaphore_mem>> -> memref<!tpu.dma_semaphore, #tpu.memory_space<semaphore_mem>>
    %dma_wait3A_52 = tpu.memref_slice %arg4[%add3A_44] : memref<33554432xf32, #tpu.memory_space<hbm>> -> memref<16384xf32, #tpu.memory_space<hbm>>
    %dma_wait3A_53 = arith.constant 0 : i32
    %dma_wait3A_54 = tpu.memref_slice %arg5[%dma_wait3A, %dma_wait3A_53] : memref<2x16384xf32, #tpu.memory_space<vmem>> -> memref<1x16384xf32, #tpu.memory_space<vmem>>
    %dma_wait3A_55 = tpu.memref_squeeze %dma_wait3A_54 : memref<1x16384xf32, #tpu.memory_space<vmem>> -> memref<16384xf32, #tpu.memory_space<vmem>>
    tpu.wait_dma2 semaphore(%dma_wait3A_51 : memref<!tpu.dma_semaphore, #tpu.memory_space<semaphore_mem>>) src(%dma_wait3A_55 : memref<16384xf32, #tpu.memory_space<vmem>>) dst(%dma_wait3A_52 : memref<16384xf32, #tpu.memory_space<hbm>>)
    %add3A_56 = arith.constant 1032192 : i32
    %add3A_57 = arith.addi %mul3A_2, %add3A_56 : i32
    %dma_wait3A_58 = arith.constant 1 : i32
    %dma_wait3A_59 = arith.constant 1 : i32
    %dma_wait3A_60 = arith.constant 0 : i32
    %dma_wait3A_61 = tpu.memref_slice %arg5[%dma_wait3A_58, %dma_wait3A_60] : memref<2x16384xf32, #tpu.memory_space<vmem>> -> memref<1x16384xf32, #tpu.memory_space<vmem>>
    %dma_wait3A_62 = tpu.memref_squeeze %dma_wait3A_61 : memref<1x16384xf32, #tpu.memory_space<vmem>> -> memref<16384xf32, #tpu.memory_space<vmem>>
    %dma_wait3A_63 = tpu.memref_slice %arg4[%add3A_57] : memref<33554432xf32, #tpu.memory_space<hbm>> -> memref<16384xf32, #tpu.memory_space<hbm>>
    %dma_wait3A_64 = tpu.memref_slice %arg10[%dma_wait3A_59] : memref<2x!tpu.dma_semaphore, #tpu.memory_space<semaphore_mem>> -> memref<1x!tpu.dma_semaphore, #tpu.memory_space<semaphore_mem>>
    %dma_wait3A_65 = tpu.memref_squeeze %dma_wait3A_64 : memref<1x!tpu.dma_semaphore, #tpu.memory_space<semaphore_mem>> -> memref<!tpu.dma_semaphore, #tpu.memory_space<semaphore_mem>>
    %dma_wait3A_66 = tpu.memref_slice %arg4[%add3A_57] : memref<33554432xf32, #tpu.memory_space<hbm>> -> memref<16384xf32, #tpu.memory_space<hbm>>
    %dma_wait3A_67 = arith.constant 0 : i32
    %dma_wait3A_68 = tpu.memref_slice %arg5[%dma_wait3A_58, %dma_wait3A_67] : memref<2x16384xf32, #tpu.memory_space<vmem>> -> memref<1x16384xf32, #tpu.memory_space<vmem>>
    %dma_wait3A_69 = tpu.memref_squeeze %dma_wait3A_68 : memref<1x16384xf32, #tpu.memory_space<vmem>> -> memref<16384xf32, #tpu.memory_space<vmem>>
    tpu.wait_dma2 semaphore(%dma_wait3A_65 : memref<!tpu.dma_semaphore, #tpu.memory_space<semaphore_mem>>) src(%dma_wait3A_69 : memref<16384xf32, #tpu.memory_space<vmem>>) dst(%dma_wait3A_66 : memref<16384xf32, #tpu.memory_space<hbm>>)
    return
  }
}

</mosaic_0001>

<sc_bundles>
// kernel: kernel.3.cloned.1.call-start
scs
__scs_entry_jumppad:
0x0: {  	(pc) =	sbr.rel $0x88, $3  }
0x1: {  	(tag) =	ssettag $0x0;
	lr =	simm.s32 $0x1  }
0x2: {  	[smem:$0x3F9F] =	sst lr;
	_ =	strace $0xD0000000  }
0x3: {  	_ = 	snop  }
0x4: {  	_ = 	snop  }
0x5: {  	_ = 	snop  }
0x6: {  	_ = 	snop  }
0x7: {  	_ = 	snop  }
__scs_overlays_trampoline_lowered:
0x8: {  	[smem:$0x3FAE] =	sst s0  }
0x9: {  	[smem:$0x3FAF] =	sst s1  }
0xa: {  	[smem:$0x3FB0] =	sst s2  }
0xb: {  	[smem:$0x3FB1] =	sst s3  }
0xc: {  	[smem:$0x3FB2] =	sst s4  }
0xd: {  	[smem:$0x3FB3] =	sst s5  }
0xe: {  	[smem:$0x3FB4] =	sst s6  }
0xf: {  	[smem:$0x3FB5] =	sst s7  }
0x10: {  	[smem:$0x3FB6] =	sst s8  }
0x11: {  	[smem:$0x3FB7] =	sst s9;
	s0 =	simm.s32 @!p0 $0x0  }
0x12: {  	s1 =	sld [smem:$0x3F9D];
	s0 =	simm.s32 @p0 $0x1  }
0x13: {  	[smem:$0x3FB8] =	sst s0;
	s0 =	simm.s32 @!p1 $0x0  }
0x14: {  	s2 =	sld [smem:$0x3F9C];
	s0 =	simm.s32 @p1 $0x1  }
0x15: {  	[smem:$0x3FB9] =	sst s0;
	s0 =	simm.s32 @!p2 $0x0  }
0x16: {  	s3 =	sld [smem:$0x3FDB];
	s0 =	simm.s32 @p2 $0x1  }
0x17: {  	s4 =	simm.s32 $0x1BF5;
	[smem:$0x3FBB] =	sst s0  }
0x18: {  	s0 =	sld [smem:$0x3F9E];
	_ =	swait.ge [sflag:s4], $0x0  }
0x19: {  	s7 =	sld [smem:$0x3F9F]  }
0x1a: {  	s8 =	sadd.s32 $0xFFFFE003, lr  }
0x1b: {  	s9 =	sadd.s32 $0xFFFFFEF7, lr;
	s5 =	simm.s32 $0xFFFFFFFF;
	p2 =	slt.u32 s8, $0xFFFFF086  }
0x1c: {  	p1 =	slt.u32 s9, $0xF7A;
	s5 =	simm.s32 @!p2 $0x0  }
0x1d: {  	s5 =	simm.s32 @p1 $0x1;
	p0 =	seq.s32 s7, s2  }
0x1e: {  	s7 =	smul.u32 @!p0 $0xF7A, s2;
	p2 =	seq.s32 @!p0 s5, $0x0  }
0x1f: {  	s9 =	smul.u32 $0xF7A, s1;
	s8 =	simm.s32 @!p0 $0x1BF5;
	p2 =	por !p2, p0  }
0x20: {  	[sflag:s8] =	ssyncset.s32 @!p0 $0xFFFFF086;
	s6 =	sadd.s32 @!p0 s3, s7;
	s7 =	simm.s32 @!p0 $0x108  }
0x21: {  	s3 =	sadd.s32 s3, s9;
	s6 =	sadd.s32 @!p0 $0x88, s6;
	s7 =	simm.s32 @p2 $0x1082  }
0x22: {  	[simem:s7], [sflag:s8] =	dma.local @!p0 [hbm:s6], $0xF7A  }
0x23: {  	s9 =	sor.u32 $0xD0000000, s2;
	s6 =	simm.s32 $0x108;
	_ =	swait.ge @!p0 [sflag:s8], $0x0  }
0x24: {  	s3 =	sadd.s32 $0x88, s3;
	s6 =	simm.s32 @!p1 $0x1082;
	[sflag:s4] =	ssyncset.s32 $0xFFFFF086  }
0x25: {  	[simem:s6], [sflag:s4] =	dma.local [hbm:s3], $0xF7A  }
0x26: {  	[smem:$0x3F9F] =	sst s1;
	(tag) =	ssettag s2;
	_ =	strace s9  }
0x27: {  	s1 =	sld [smem:$0x3FAF]  }
0x28: {  	s2 =	sld [smem:$0x3FB0]  }
0x29: {  	s4 =	sld [smem:$0x3FB2]  }
0x2a: {  	p0 =	seq.s32 s5, $0x0;
	s5 =	sld [smem:$0x3FB3]  }
0x2b: {  	s6 =	sld [smem:$0x3FB4]  }
0x2c: {  	s7 =	sld [smem:$0x3FB5]  }
0x2d: {  	s3 =	simm.s32 $0x108;
	s8 =	sld [smem:$0x3FB6]  }
0x2e: {  	s3 =	simm.s32 @!p0 $0x1082;
	s9 =	sld [smem:$0x3FB7]  }
0x2f: {  	lr =	sadd.s32 s0, s3;
	s0 =	sld [smem:$0x3FAE]  }
0x30: {  	s3 =	sld [smem:$0x3FB1]  }
0x31: {  	[smem:$0x3FBA] =	sst s10  }
0x32: {  	s10 =	sld [smem:$0x3FB8];
	_ =	sdelay $0x3  }
0x33: {  	p0 =	seq.s32 s10, $0x1;
	s10 =	sld [smem:$0x3FBA];
	_ =	sdelay $0x3  }
0x34: {  	[smem:$0x3FBA] =	sst s10  }
0x35: {  	s10 =	sld [smem:$0x3FB9];
	_ =	sdelay $0x3  }
0x36: {  	p1 =	seq.s32 s10, $0x1;
	s10 =	sld [smem:$0x3FBA];
	_ =	sdelay $0x3  }
0x37: {  	[smem:$0x3FBA] =	sst s10  }
0x38: {  	s10 =	sld [smem:$0x3FBB]  }
0x39: {  	_ = 	snop;
	(pc) =	sbr.ind lr, $3  }
0x3a: {  	_ = 	snop  }
0x3b: {  	_ = 	snop  }
0x3c: {  	p2 =	seq.s32 s10, $0x1;
	s10 =	sld [smem:$0x3FBA]  }
0x3d: {  	_ =	shalt  }
0x3e: {  	_ =	shalt  }
0x3f: {  	_ =	shalt  }
0x40: {  	_ =	shalt  }
0x41: {  	_ =	shalt  }
0x42: {  	_ =	shalt  }
0x43: {  	_ =	shalt  }
0x44: {  	_ =	shalt  }
0x45: {  	_ =	shalt  }
0x46: {  	_ =	shalt  }
0x47: {  	_ =	shalt  }
0x48: {  	_ =	shalt  }
0x49: {  	_ =	shalt  }
0x4a: {  	_ =	shalt  }
0x4b: {  	_ =	shalt  }
0x4c: {  	_ =	shalt  }
0x4d: {  	_ =	shalt  }
0x4e: {  	_ =	shalt  }
0x4f: {  	_ =	shalt  }
0x50: {  	_ =	shalt  }
0x51: {  	_ =	shalt  }
0x52: {  	_ =	shalt  }
0x53: {  	_ =	shalt  }
0x54: {  	_ =	shalt  }
0x55: {  	_ =	shalt  }
0x56: {  	_ =	shalt  }
0x57: {  	_ =	shalt  }
0x58: {  	_ =	shalt  }
0x59: {  	_ =	shalt  }
0x5a: {  	_ =	shalt  }
0x5b: {  	_ =	shalt  }
0x5c: {  	_ =	shalt  }
0x5d: {  	_ =	shalt  }
0x5e: {  	_ =	shalt  }
0x5f: {  	_ =	shalt  }
0x60: {  	_ =	shalt  }
0x61: {  	_ =	shalt  }
0x62: {  	_ =	shalt  }
0x63: {  	_ =	shalt  }
0x64: {  	_ =	shalt  }
0x65: {  	_ =	shalt  }
0x66: {  	_ =	shalt  }
0x67: {  	_ =	shalt  }
0x68: {  	_ =	shalt  }
0x69: {  	_ =	shalt  }
0x6a: {  	_ =	shalt  }
0x6b: {  	_ =	shalt  }
0x6c: {  	_ =	shalt  }
0x6d: {  	_ =	shalt  }
0x6e: {  	_ =	shalt  }
0x6f: {  	_ =	shalt  }
0x70: {  	_ =	shalt  }
0x71: {  	_ =	shalt  }
0x72: {  	_ =	shalt  }
0x73: {  	_ =	shalt  }
0x74: {  	_ =	shalt  }
0x75: {  	_ =	shalt  }
0x76: {  	_ =	shalt  }
0x77: {  	_ =	shalt  }
0x78: {  	_ =	shalt  }
0x79: {  	_ =	shalt  }
0x7a: {  	_ =	shalt  }
0x7b: {  	_ =	shalt  }
0x7c: {  	_ =	shalt  }
0x7d: {  	_ =	shalt  }
0x7e: {  	_ =	shalt  }
0x7f: {  	_ =	shalt  }
0x80: {  	_ =	shalt  }
0x81: {  	_ =	shalt  }
0x82: {  	_ =	shalt  }
0x83: {  	_ =	shalt  }
0x84: {  	_ =	shalt  }
0x85: {  	_ =	shalt  }
0x86: {  	_ =	shalt  }
0x87: {  	_ =	shalt  }
.Lfunc_end0:
.L_simem_size_0:
called_computation.2_lowered:
.L_overlay_start_0:
0x88: {  	s2 =	sld [smem:$0x3FD9]  }
0x89: {  	s3 =	sld [smem:$0x3FFE];
	_ =	sdelay $0x1  }
0x8a: {  	s1 =	srdreg.scid  }
0x8b: {  	s0 =	sand.u32 $0x1, s1  }
0x8c: {  	s17 =	sshll.u32 s0, $0xA;
	s2 =	sadd.s32 s3, s2  }
0x8d: {  	s2 =	sadd.s32 s2, s17  }
0x8e: {  	[smem:$0x3FC6] =	sst s2  }
0x8f: {  	_ = 	snop  }
0x90: {  	s2 =	sld [smem:$0x3FD0];
	(tm) =	ssettm $0x1  }
0x91: {  	s18 =	sld [smem:$0x3FFB];
	_ =	sdelay $0x3  }
0x92: {  	_ =	strace s18  }
0x93: {  	s3 =	sld [smem:$0x3FFC];
	_ =	sdelay $0x3  }
0x94: {  	_ =	strace s3  }
0x95: {  	s3 =	sld [smem:$0x3FFD];
	_ =	sdelay $0x3  }
0x96: {  	_ =	strace s3  }
0x97: {  	_ =	strace $0x8FFFFFFF  }
0x98: {  	s19 =	sld [smem:$0x3FDB];
	_ =	sdelay $0x1  }
0x99: {  	s4 =	simm.s32 $_scs_section_size  }
0x9a: {  	s5 =	simm.s32 $_size__tile_overlayer_lowered;
	s6 =	simm.s32 $_tile_overlayer_lowered  }
0x9b: {  	s22 =	simm.s32 $0x1BFF;
	s21 =	sshll.u32 s6, $0x1;
	s3 =	sadd.s32 s4, s19  }
0x9c: {  	s7 =	simm.s32 $0x0;
	s20 =	sshll.u32 s5, $0x1;
	s5 =	sadd.s32 s21, s3  }
0x9d: {  	[timem:s7], [sflag:s22] =	dma.local [hbm:s5], s20  }
0x9e: {  	_ =	swait.ge [sflag:s22], s20  }
0x9f: {  	s4 =	ssub.s32 $0x0, s20;
	[sflag:s22] =	ssyncset.done $0x0  }
0xa0: {  	[sflag:s22] =	ssyncadd.s32 s4;
	_ =	sdelay $0x1  }
0xa1: {  	s23 =	simm.s32 $0x1B8B  }
0xa2: {  	_ =	swait.ge [sflag:s23], $0x1  }
0xa3: {  	[sflag:s23] =	ssyncset.done $0x0  }
0xa4: {  	s25 =	simm.s32 $0x1B8E;
	s24 =	sld [smem:$0x3FFE];
	[sflag:s23] =	ssyncadd.s32 $0xFFFFFFFF  }
0xa5: {  	s26 =	simm.s32 $execute0_lowered;
	[smem:$0x3FD2] =	sst s25  }
0xa6: {  	s5 =	sshll.u32 s26, $0x1;
	_ =	strace $0x8000004C;
	[dreg:$0x1] =	wrdreg $0xFFFFFFFF  }
0xa7: {  	s28 =	simm.s32 $_size_execute0_lowered;
	s3 =	sadd.s32 s3, s5;
	[dreg:$0x0] =	wrdreg $0x0  }
0xa8: {  	s5 =	sshll.u32 s28, $0x1;
	[dreg:$0x2] =	wrdreg s3  }
0xa9: {  	[dreg:$0x3] =	wrdreg s5  }
0xaa: {  	[dreg:$0x4] =	wrdreg $0xC0  }
0xab: {  	_ =	task [dreg:s7], $0x5FFFF  }
0xac: {  	[dreg:$0x1] =	wrdreg $0xFFFFFFFF  }
0xad: {  	[dreg:$0x0] =	wrdreg $0x60  }
0xae: {  	[dreg:$0x2] =	wrdreg s2  }
0xaf: {  	[dreg:$0x3] =	wrdreg s24  }
0xb0: {  	[dreg:$0x4] =	wrdreg $0x9  }
0xb1: {  	_ =	task.clear_ibuf [dreg:s7], $0x5FFFF;
	_ =	strace $0x9000004C  }
0xb2: {  	s29 =	simm.s32 $0x9;
	_ =	strace $0x8000004E  }
0xb3: {  	_ =	swait.ge [sflag:s29], $0x1  }
0xb4: {  	[sflag:s29] =	ssyncadd.s32 $0xFFFFFFFF  }
0xb5: {  	_ =	strace $0x9000004E  }
0xb6: {  	_ =	sfence  }
0xb7: {  	s30 =	sld [smem:$0x0];
	_ =	sdelay $0x2  }
0xb8: {  	s31 =	sshll.u32 s1, $0xD;
	s1 =	sshrl.u32 s1, $0x2  }
0xb9: {  	s3 =	sand.u32 $0x4000, s31;
	s1 =	sadd.s32 s1, s30  }
0xba: {  	s0 =	sor.u32 s3, s0;
	s1 =	sshll.u32 s1, $0x11  }
0xbb: {  	s0 =	sor.u32 s1, s0  }
0xbc: {  	s0 =	sadd.s32 $0x8F2B, s0  }
0xbd: {  	[sflag:s0] =	ssyncadd.remote.s32 $0x1  }
0xbe: {  	_ =	sfence.sel $0xFFFF  }
0xbf: {  	[dreg:$0x0] =	wrdreg $0xFFFFFFFF;
	(pc) =	sbr.abs _section_cstart, $3  }
0xc0: {  	[dreg:$0x1] =	wrdreg $0xFFFFFFFF  }
0xc1: {  	_ =	task.clear_ibuf [dreg:s7], $0x2FFFF;
	_ =	strace $0x9FFFFFFF  }
0xc2: {  	(tm) =	ssettm $0x7FFFFFFF  }
0xc3: {  	_ =	shalt  }
tec
execute0_lowered:
.L_overlay_start_1:
0x0: {  	(tag) =	ssettag $0x1  }
0x1: {  	s2 =	rddreg [dreg:$0x0]  }
0x2: {  	s5 =	rddreg [dreg:$0x1]  }
0x3: {  	s3 =	srdreg.scid;
	s0 =	rddreg [dreg:$0x2]  }
0x4: {  	s1 =	stileid.u32;
	s11 =	simm.s32 $0x1;
	s12 =	simm.s32 $0x2  }
0x5: {  	s13 =	simm.s32 $0x4;
	s14 =	simm.s32 $0x3;
	s15 =	simm.s32 $0x0  }
0x6: {  	s4 =	sand.u32 $0x1, s3;
	s3 =	simm.s32 $0x0;
	s6 =	sshll.u32 s1, $0x15  }
.Ltmp0:
0x7: {  	s5 =	sadd.s32 $0x200C00, s5;
	s7 =	sshll.u32 s4, $0x14;
	(pc) =	sbr.rel .LBB2_1-.Ltmp0, $4  }
0x8: {  	[smem:$0x7FF] =	sst s3;
	s8 =	ssub.s32 $0x2, s4;
	s4 =	sor.u32 s7, s6  }
0x9: {  	_ =	strace $0x8000004D;
	s31 =	sshrl.u32 s8, $0x1;
	s7 =	sshrl.u32 s4, $0x3  }
0xa: {  	s10 =	ssub.s32 s8, s31;
	s8 =	sor.u32 $0x8000, s4;
	s6 =	sadd.s32 s2, s7  }
0xb: {  	s9 =	sor.u32 $0xC000, s4;
	s10 =	smax.u32 s10, $0x1;
	s7 =	sadd.s32 $0x800, s6  }
.LBB2_20:
0xc: {  	s15 =	sadd.s32 $0x1, s15  }
0xd: {  	_ =	swait.ge [sflag:s14], $0x4000;
	p0 =	sne.s32 s15, s10  }
.Ltmp1:
0xe: {  	[sflag:s14] =	ssyncset.done $0x0;
	(pc) =	sbr.rel @!p0 .LBB2_21-.Ltmp1, $4  }
0xf: {  	[sflag:s14] =	ssyncadd.s32 $0xFFFFC000  }
0x10: {  	_ =	swait.ge [sflag:s13], $0x4000  }
0x11: {  	[sflag:s13] =	ssyncset.done $0x0  }
0x12: {  	[sflag:s13] =	ssyncadd.s32 $0xFFFFC000  }
.LBB2_1:
0x13: {  	s16 =	simm.s32 $0x10  }
0x14: {  	s19 =	sadd.s32 $0x0, s6;
	s17 =	simm.s32 $0x100;
	s18 =	simm.s32 $0x0  }
.LBB2_2:
0x15: {  	[tilespmem:s18], [sflag:$0x1] =	stream.linear.gather [hbm4b:s19+s3], $0x80, $0x38;
	[tilespmem:$0x8000] =	vst v63  }
0x16: {  	s19 =	smov.u32 s16;
	s18 =	smov.u32 s17;
	p0 =	sne.s32 s16, $0x7F0  }
.Ltmp2:
0x17: {  	s16 =	sadd.s32 $0x10, s16;
	(pc) =	sbr.rel @p0 .LBB2_2-.Ltmp2, $2  }
0x18: {  	_ =	sdelay $0x2  }
0x19: {  	s17 =	sadd.s32 $0x100, s17;
	s19 =	sadd.s32 s19, s6  }
0x1a: {  	[tilespmem:s18], [sflag:$0x1] =	stream.linear.gather [hbm4b:s19+s3], $0x80, $0x38;
	[tilespmem:$0x8000] =	vst v63  }
0x1b: {  	s16 =	simm.s32 $0x0;
	s17 =	simm.s32 $0x80  }
0x1c: {  	s18 =	simm.s32 $0x10;
	s20 =	sadd.s32 $0x0, s7;
	s19 =	simm.s32 $0x180  }
.LBB2_4:
0x1d: {  	[tilespmem:s17], [sflag:$0x2] =	stream.linear.gather [hbm4b:s20+s16], $0x80, $0x38;
	[tilespmem:$0x8000] =	vst v63  }
0x1e: {  	s20 =	smov.u32 s18;
	s17 =	smov.u32 s19;
	p0 =	sne.s32 s18, $0x7F0  }
.Ltmp3:
0x1f: {  	s18 =	sadd.s32 $0x10, s18;
	(pc) =	sbr.rel @p0 .LBB2_4-.Ltmp3, $2  }
0x20: {  	_ =	sdelay $0x2  }
0x21: {  	s19 =	sadd.s32 $0x100, s19;
	s20 =	sadd.s32 s20, s7  }
0x22: {  	[tilespmem:s17], [sflag:$0x2] =	stream.linear.gather [hbm4b:s20+s16], $0x80, $0x38;
	[tilespmem:$0x8000] =	vst v63  }
.LBB2_6:
0x23: {  	_ =	swait.ge [sflag:s11], $0x4000  }
0x24: {  	p0 =	seq.s32 s16, $0x0;
	[sflag:s11] =	ssyncset.done $0x0  }
0x25: {  	s17 =	sshll.u32 s16, $0xF;
	s19 =	simm.s32 @!p0 $0x3;
	[sflag:s11] =	ssyncadd.s32 $0xFFFFC000  }
0x26: {  	s18 =	sor.u32 s4, s17;
	_ =	swait.ge @!p0 [sflag:s19], $0x4000  }
0x27: {  	s18 =	sshrl.u32 s18, $0x3;
	[sflag:s19] =	ssyncset.done @!p0 $0x0  }
0x28: {  	s20 =	simm.s32 $0x0;
	[sflag:s19] =	ssyncadd.s32 @!p0 $0xFFFFC000;
	s19 =	sadd.s32 s5, s18  }
0x29: {  	s21 =	simm.s32 $0x10;
	s22 =	simm.s32 $0x100;
	s23 =	sadd.s32 $0x0, s19  }
.LBB2_7:
0x2a: {  	[hbm4b:s23+s3] =	stream.linear.scatter [tilespmem:s20], [sflag:$0x3], $0x80, $0x38;
	[tilespmem:$0x8000] =	vst v63  }
0x2b: {  	s23 =	smov.u32 s21;
	s20 =	smov.u32 s22;
	p1 =	sne.s32 s21, $0x7F0  }
.Ltmp4:
0x2c: {  	s21 =	sadd.s32 $0x10, s21;
	(pc) =	sbr.rel @p1 .LBB2_7-.Ltmp4, $2  }
0x2d: {  	_ =	sdelay $0x2  }
0x2e: {  	s22 =	sadd.s32 $0x100, s22;
	s23 =	sadd.s32 s23, s19  }
0x2f: {  	p1 =	sne.s32 s16, $0x1F  }
.Ltmp5:
0x30: {  	_ = 	snop;
	(pc) =	sbr.rel @p1 .LBB2_10-.Ltmp5, $2  }
0x31: {  	_ =	sdelay $0x2  }
0x32: {  	[hbm4b:s23+s3] =	stream.linear.scatter [tilespmem:s20], [sflag:$0x3], $0x80, $0x38;
	[tilespmem:$0x8000] =	vst v63  }
.Ltmp6:
0x33: {  	(pc) =	sbr.rel .LBB2_13-.Ltmp6, $4  }
0x34: {  	_ = 	snop  }
0x35: {  	_ =	swait.ge [sflag:s12], $0x4000  }
0x36: {  	[sflag:s12] =	ssyncset.done $0x0  }
0x37: {  	[sflag:s12] =	ssyncadd.s32 $0xFFFFC000  }
.LBB2_10:
0x38: {  	s19 =	sadd.s32 s17, s8  }
0x39: {  	s19 =	sshrl.u32 s19, $0x3  }
0x3a: {  	s20 =	simm.s32 $0x0;
	s19 =	sadd.s32 s2, s19  }
0x3b: {  	s21 =	simm.s32 $0x10;
	s22 =	simm.s32 $0x100;
	s23 =	sadd.s32 $0x0, s19  }
.LBB2_11:
0x3c: {  	[tilespmem:s20], [sflag:$0x1] =	stream.linear.gather [hbm4b:s23+s3], $0x80, $0x38;
	[tilespmem:$0x8000] =	vst v63  }
0x3d: {  	s23 =	smov.u32 s21;
	s20 =	smov.u32 s22;
	p1 =	sne.s32 s21, $0x7F0  }
.Ltmp7:
0x3e: {  	s21 =	sadd.s32 $0x10, s21;
	(pc) =	sbr.rel @p1 .LBB2_11-.Ltmp7, $2  }
0x3f: {  	_ =	sdelay $0x2  }
0x40: {  	s22 =	sadd.s32 $0x100, s22;
	s23 =	sadd.s32 s23, s19  }
.Ltmp8:
0x41: {  	(pc) =	sbr.rel @p0 .LBB2_14-.Ltmp8, $4  }
0x42: {  	[tilespmem:s20], [sflag:$0x1] =	stream.linear.gather [hbm4b:s23+s3], $0x80, $0x38;
	[tilespmem:$0x8000] =	vst v63  }
0x43: {  	_ =	swait.ge [sflag:s12], $0x4000  }
0x44: {  	[sflag:s12] =	ssyncset.done $0x0  }
0x45: {  	[sflag:s12] =	ssyncadd.s32 $0xFFFFC000  }
.LBB2_13:
0x46: {  	_ =	swait.ge [sflag:s13], $0x4000  }
0x47: {  	[sflag:s13] =	ssyncset.done $0x0  }
0x48: {  	[sflag:s13] =	ssyncadd.s32 $0xFFFFC000  }
.LBB2_14:
0x49: {  	s18 =	sadd.s32 s18, s5  }
0x4a: {  	s19 =	simm.s32 $0x80;
	s18 =	sadd.s32 $0x800, s18  }
0x4b: {  	s20 =	simm.s32 $0x10;
	s21 =	simm.s32 $0x180;
	s22 =	sadd.s32 $0x0, s18  }
.LBB2_15:
0x4c: {  	[hbm4b:s22+s3] =	stream.linear.scatter [tilespmem:s19], [sflag:$0x4], $0x80, $0x38;
	[tilespmem:$0x8000] =	vst v63  }
0x4d: {  	s22 =	smov.u32 s20;
	s19 =	smov.u32 s21;
	p0 =	sne.s32 s20, $0x7F0  }
.Ltmp9:
0x4e: {  	s20 =	sadd.s32 $0x10, s20;
	(pc) =	sbr.rel @p0 .LBB2_15-.Ltmp9, $2  }
0x4f: {  	_ =	sdelay $0x2  }
0x50: {  	s21 =	sadd.s32 $0x100, s21;
	s22 =	sadd.s32 s22, s18  }
0x51: {  	p0 =	seq.s32 s16, $0x1F  }
.Ltmp10:
0x52: {  	_ = 	snop;
	(pc) =	sbr.rel @p0 .LBB2_20-.Ltmp10, $2  }
0x53: {  	_ =	sdelay $0x2  }
0x54: {  	[hbm4b:s22+s3] =	stream.linear.scatter [tilespmem:s19], [sflag:$0x4], $0x80, $0x38;
	[tilespmem:$0x8000] =	vst v63  }
0x55: {  	s17 =	sadd.s32 s17, s9  }
0x56: {  	s17 =	sshrl.u32 s17, $0x3  }
0x57: {  	s18 =	simm.s32 $0x80;
	s17 =	sadd.s32 s2, s17  }
0x58: {  	s19 =	simm.s32 $0x10;
	s20 =	simm.s32 $0x180;
	s21 =	sadd.s32 $0x0, s17  }
.LBB2_18:
0x59: {  	[tilespmem:s18], [sflag:$0x2] =	stream.linear.gather [hbm4b:s21+s3], $0x80, $0x38;
	[tilespmem:$0x8000] =	vst v63  }
0x5a: {  	s21 =	smov.u32 s19;
	s18 =	smov.u32 s20;
	p0 =	sne.s32 s19, $0x7F0  }
.Ltmp11:
0x5b: {  	s19 =	sadd.s32 $0x10, s19;
	(pc) =	sbr.rel @p0 .LBB2_18-.Ltmp11, $2  }
0x5c: {  	_ =	sdelay $0x2  }
0x5d: {  	s20 =	sadd.s32 $0x100, s20;
	s21 =	sadd.s32 s21, s17  }
.Ltmp12:
0x5e: {  	(pc) =	sbr.rel .LBB2_6-.Ltmp12, $3  }
0x5f: {  	_ =	sdelay $0x1  }
0x60: {  	[tilespmem:s18], [sflag:$0x2] =	stream.linear.gather [hbm4b:s21+s3], $0x80, $0x38;
	[tilespmem:$0x8000] =	vst v63  }
0x61: {  	s16 =	sadd.s32 $0x1, s16  }
.LBB2_21:
0x62: {  	_ =	sfence.sel $0x180000  }
0x63: {  	[bflag:$0x0] =	sbarrier.arrive $0xFFFF  }
0x64: {  	p0 =	sne.s32 s1, $0x0;
	_ =	strace $0x9000004D  }
0x65: {  	s0 =	sadd.s32 @!p0 $0x100000, s0;
	[bflag:$0x2] =	sbarrier.arrive $0xFFFF  }
0x66: {  	[sflag:s0] =	ssyncadd.tile.s32 @!p0 $0x1;
	_ =	shalt  }
.Lfunc_end2:
_tile_overlayer_lowered:
.L_overlay_start_2:
0x67: {  	(tag) =	ssettag $0x2  }
0x68: {  	s0 =	rddreg [dreg:$0x0];
	s2 =	stileid.u32  }
0x69: {  	s1 =	rddreg [dreg:$0x1];
	p0 =	sne.s32 s2, $0x0  }
0x6a: {  	s3 =	rddreg [dreg:$0x2];
	[bflag:$0x3] =	sbarrier.arrive $0xFFFF;
	s2 =	simm.s32 @!p0 $0x1C05  }
0x6b: {  	[timem:s3], [sflag:s2] =	dma.local @!p0 [hbm:s0], s1  }
0x6c: {  	s0 =	simm.s32 @!p0 $0x5  }
0x6d: {  	_ =	swait.ge @!p0 [sflag:s0], s1  }
0x6e: {  	s1 =	ssub.s32 @!p0 $0x0, s1;
	[sflag:s0] =	ssyncset.done @!p0 $0x0  }
0x6f: {  	[sflag:s0] =	ssyncadd.s32 @!p0 s1  }
0x70: {  	[bflag:$0x3] =	sbarrier.arrive $0xFFFF  }
0x71: {  	_ =	shalt  }

// kernel: sparse-core-data-format-call.1.cloned.1.call-start
scs
called_computation.1_lowered:
.L_overlay_start_0:
0x0: {  	s2 =	sld [smem:$0x3FD9]  }
0x1: {  	s3 =	sld [smem:$0x3FFE];
	_ =	sdelay $0x1  }
0x2: {  	s1 =	srdreg.scid  }
0x3: {  	s0 =	sand.u32 $0x1, s1  }
0x4: {  	s19 =	sshll.u32 s0, $0xA;
	s2 =	sadd.s32 s3, s2  }
0x5: {  	s2 =	sadd.s32 s2, s19  }
0x6: {  	[smem:$0x3FC6] =	sst s2  }
0x7: {  	_ = 	snop  }
0x8: {  	s20 =	sld [smem:$0x3FC9]  }
0x9: {  	s4 =	sld [smem:$0x3FD0];
	(tm) =	ssettm $0x1  }
0xa: {  	s21 =	sld [smem:$0x3FFB];
	_ =	sdelay $0x3  }
0xb: {  	_ =	strace s21  }
0xc: {  	s2 =	sld [smem:$0x3FFC];
	_ =	sdelay $0x3  }
0xd: {  	_ =	strace s2  }
0xe: {  	s2 =	sld [smem:$0x3FFD];
	_ =	sdelay $0x3  }
0xf: {  	_ =	strace s2  }
0x10: {  	_ =	strace $0x8FFFFFFF  }
0x11: {  	s22 =	sld [smem:$0x3FDB];
	_ =	sdelay $0x1  }
0x12: {  	s5 =	simm.s32 $_scs_section_size  }
0x13: {  	s6 =	simm.s32 $_size__tile_overlayer_lowered;
	s7 =	simm.s32 $_tile_overlayer_lowered  }
0x14: {  	s8 =	simm.s32 $0x1BFF;
	s23 =	sshll.u32 s7, $0x1;
	s5 =	sadd.s32 s5, s22  }
0x15: {  	s24 =	simm.s32 $0x0;
	s6 =	sshll.u32 s6, $0x1;
	s7 =	sadd.s32 s23, s5  }
0x16: {  	[timem:s24], [sflag:s8] =	dma.local [hbm:s7], s6  }
0x17: {  	_ =	swait.ge [sflag:s8], s6  }
0x18: {  	s6 =	ssub.s32 $0x0, s6;
	[sflag:s8] =	ssyncset.done $0x0  }
0x19: {  	[sflag:s8] =	ssyncadd.s32 s6;
	_ =	sdelay $0x1  }
0x1a: {  	s25 =	simm.s32 $0x1B8B  }
0x1b: {  	_ =	swait.ge [sflag:s25], $0x1  }
0x1c: {  	[sflag:s25] =	ssyncset.done $0x0  }
0x1d: {  	[sflag:s25] =	ssyncadd.s32 $0xFFFFFFFF  }
0x1e: {  	s6 =	sld [smem:$0x0]  }
0x1f: {  	s7 =	sand.u32 $0xFFFFFFFE, s1  }
0x20: {  	p0 =	sne.s32 s1, s7  }
0x21: {  	s7 =	sshll.u32 @p0 s7, $0xE  }
0x22: {  	s7 =	sadd.s32 @p0 $0x11B8D, s7;
	s8 =	sshll.u32 @p0 s6, $0x11  }
0x23: {  	s7 =	sor.u32 @p0 s8, s7  }
0x24: {  	[sflag:s7] =	ssyncadd.remote.s32 @p0 $0x1;
	_ =	sdelay $0x1  }
0x25: {  	s7 =	simm.s32 @p0 $0x1B8D  }
0x26: {  	_ =	swait.eq @p0 [sflag:s7], $0x1  }
0x27: {  	[sflag:s7] =	ssyncadd.s32 @p0 $0xFFFFFFFF  }
0x28: {  	s8 =	sshll.u32 @!p0 s1, $0xE  }
0x29: {  	s8 =	sor.u32 @!p0 $0x4000, s8;
	s7 =	simm.s32 @!p0 $0x1B8D  }
0x2a: {  	s6 =	sshll.u32 @!p0 s6, $0x11;
	s8 =	sadd.s32 @!p0 $0x11B8D, s8;
	_ =	swait.eq @!p0 [sflag:s7], $0x1  }
0x2b: {  	s6 =	sor.u32 @!p0 s6, s8;
	[sflag:s7] =	ssyncadd.s32 @!p0 $0xFFFFFFFF  }
0x2c: {  	s26 =	simm.s32 $0x1B8E;
	[sflag:s6] =	ssyncadd.remote.s32 @!p0 $0x1  }
0x2d: {  	s27 =	simm.s32 $execute0_lowered;
	[smem:$0x3FD2] =	sst s26  }
0x2e: {  	s6 =	sshll.u32 s27, $0x1;
	_ =	strace $0x80000049;
	[dreg:$0x1] =	wrdreg $0xFFFFFFFF  }
0x2f: {  	s28 =	simm.s32 $_size_execute0_lowered;
	s5 =	sadd.s32 s5, s6;
	[dreg:$0x0] =	wrdreg $0x0  }
0x30: {  	s6 =	sshll.u32 s28, $0x1;
	[dreg:$0x2] =	wrdreg s5  }
0x31: {  	[dreg:$0x3] =	wrdreg s6  }
0x32: {  	[dreg:$0x4] =	wrdreg $0xC0  }
0x33: {  	_ =	task [dreg:s24], $0x5FFFF  }
0x34: {  	[dreg:$0x1] =	wrdreg $0xFFFFFFFF  }
0x35: {  	[dreg:$0x0] =	wrdreg $0x60  }
0x36: {  	[dreg:$0x2] =	wrdreg s20  }
0x37: {  	[dreg:$0x3] =	wrdreg s4  }
0x38: {  	[dreg:$0x4] =	wrdreg $0xA  }
0x39: {  	_ =	task.clear_ibuf [dreg:s24], $0x5FFFF;
	_ =	strace $0x90000049  }
0x3a: {  	s29 =	simm.s32 $0xA;
	_ =	strace $0x8000004B  }
0x3b: {  	_ =	swait.ge [sflag:s29], $0x1  }
0x3c: {  	[sflag:s29] =	ssyncadd.s32 $0xFFFFFFFF  }
0x3d: {  	_ =	strace $0x9000004B  }
0x3e: {  	_ =	sfence  }
0x3f: {  	s30 =	sld [smem:$0x0];
	_ =	sdelay $0x2  }
0x40: {  	s31 =	sshll.u32 s1, $0xD;
	s1 =	sshrl.u32 s1, $0x2  }
0x41: {  	s4 =	sand.u32 $0x4000, s31;
	s1 =	sadd.s32 s1, s30  }
0x42: {  	s0 =	sor.u32 s4, s0;
	s1 =	sshll.u32 s1, $0x11  }
0x43: {  	s0 =	sor.u32 s1, s0  }
0x44: {  	s0 =	sadd.s32 $0x8F2B, s0  }
0x45: {  	[sflag:s0] =	ssyncadd.remote.s32 $0x1  }
0x46: {  	_ =	sfence.sel $0xFFFF  }
0x47: {  	[dreg:$0x0] =	wrdreg $0xFFFFFFFF;
	(pc) =	sbr.abs _section_cstart, $3  }
0x48: {  	[dreg:$0x1] =	wrdreg $0xFFFFFFFF  }
0x49: {  	_ =	task.clear_ibuf [dreg:s24], $0x2FFFF;
	_ =	strace $0x9FFFFFFF  }
0x4a: {  	(tm) =	ssettm $0x7FFFFFFF  }
0x4b: {  	_ =	shalt  }
tec
execute0_lowered:
.L_overlay_start_1:
0x0: {  	(tag) =	ssettag $0x1  }
0x1: {  	s2 =	rddreg [dreg:$0x0]  }
0x2: {  	s3 =	rddreg [dreg:$0x1]  }
0x3: {  	s0 =	rddreg [dreg:$0x2];
	s4 =	srdreg.scid  }
.Ltmp0:
0x4: {  	_ =	strace $0x8000004A;
	s1 =	stileid.u32;
	(pc) =	sbr.rel .LBB1_1-.Ltmp0, $4  }
0x5: {  	s6 =	simm.s32 $0x2;
	p0 =	por $0x0, $0x0;
	s5 =	sshll.u32 s4, $0x4  }
0x6: {  	s9 =	simm.s32 $0x0;
	s4 =	simm.s32 $0x1;
	s5 =	sand.u32 $0x10, s5  }
0x7: {  	s7 =	simm.s32 $0x0;
	[sflag:s4] =	ssyncpa.u1 $0x0;
	s5 =	sor.u32 s1, s5  }
0x8: {  	[sflag:s6] =	ssyncpa.u1 $0x0;
	s6 =	simm.s32 $0x0;
	s8 =	smov.u32 s5  }
.LBB1_7:
0x9: {  	s11 =	sadd.s32 $0x20, s8  }
0xa: {  	p1 =	slt.u32 s7, $0x2;
	s7 =	sadd.s32 $0x1, s7;
	p2 =	sgt.s32 s11, $0x7FF  }
0xb: {  	s11 =	smov.u32 @p2 s5;
	p2 =	sne.s32 s7, $0x42  }
.Ltmp1:
0xc: {  	_ = 	snop;
	(pc) =	sbr.rel @!p2 .LBB1_8-.Ltmp1, $4  }
0xd: {  	s10 =	simm.s32 @!p1 $0x2  }
0xe: {  	_ =	swait.ge @!p1 [sflag:s10], $0x4000  }
0xf: {  	s9 =	smov.u32 s8;
	[sflag:s10] =	ssyncset.done @!p1 $0x0  }
0x10: {  	p0 =	por !p0, !p0;
	s8 =	smov.u32 s11;
	[sflag:s10] =	ssyncadd.s32 @!p1 $0xFFFFC000  }
.LBB1_1:
0x11: {  	p1 =	sgt.u32 s7, $0x3F  }
0x12: {  	s10 =	sxor.u32 @!p1 $0xFFFFFFFF, s7  }
0x13: {  	s11 =	sshll.u32 @!p1 s8, $0xB;
	s10 =	sshll.u32 @!p1 s10, $0xE  }
0x14: {  	s12 =	simm.s32 @!p1 $0x0;
	s11 =	sadd.s32 @!p1 s2, s11;
	s10 =	sand.u32 @!p1 $0x4000, s10  }
0x15: {  	[tilespmem:s10], [sflag:$0x1] =	stream.linear.gather @!p1 [hbm4b:s11+s12], $0x4000, $0x38;
	[tilespmem:$0x10000] =	vst v63  }
0x16: {  	p1 =	seq.s32 s7, $0x0  }
0x17: {  	p2 =	seq.s32 @!p1 s7, $0x41  }
0x18: {  	p1 =	por p1, p2  }
.Ltmp2:
0x19: {  	_ = 	snop;
	(pc) =	sbr.rel @p1 .LBB1_7-.Ltmp2, $1  }
0x1a: {  	_ =	sdelay $0x3  }
0x1b: {  	s10 =	simm.s32 $0x1;
	_ =	swait.ge [sflag:s4], $0x4000;
	s12 =	sshll.u32 s7, $0xE  }
0x1c: {  	s13 =	simm.s32 $0x0;
	s10 =	simm.s32 @!p0 $0x0;
	[sflag:s4] =	ssyncset.done $0x0  }
0x1d: {  	s12 =	sand.u32 $0x4000, s12;
	s11 =	sshll.u32 s10, $0xE;
	[sflag:s4] =	ssyncadd.s32 $0xFFFFC000  }
0x1e: {  	s12 =	sor.u32 $0x8000, s12;
	s10 =	sor.u32 $0x8040, s11;
	s11 =	sor.u32 $0x40, s11  }
.LBB1_3:
0x1f: {  	v0 =	vmov s11;
	_ =	sdelay $0x3  }
0x20: {  	s15 =	simm.s32 $0x0  }
0x21: {  	v6 =	vld.idx.msk [tilespmem:v0+s15+$0x30 ss:$0x1], $0xffff  }
0x22: {  	v7 =	vld.idx.msk [tilespmem:v0+s15+$0xFFFFFFC0 ss:$0x1], $0xffff  }
0x23: {  	v5 =	vld.idx.msk [tilespmem:v0+s15+$0xFFFFFFD0 ss:$0x1], $0xffff  }
0x24: {  	v4 =	vld.idx.msk [tilespmem:v0+s15+$0xFFFFFFE0 ss:$0x1], $0xffff  }
0x25: {  	v3 =	vld.idx.msk [tilespmem:v0+s15+$0xFFFFFFF0 ss:$0x1], $0xffff  }
0x26: {  	v1 =	vld.idx.msk [tilespmem:v0+s15+$0x0 ss:$0x1], $0xffff  }
0x27: {  	v2 =	vld.idx.msk [tilespmem:v0+s15+$0x10 ss:$0x1], $0xffff;
	[tilespmem:s10+$0x30] =	vst v6  }
0x28: {  	s14 =	simm.s32 $0x80;
	s16 =	simm.s32 $0x400;
	[tilespmem:s10+$0xFFFFFFC0] =	vst v7;
	v6 =	vld.idx.msk [tilespmem:v0+s15+$0x20 ss:$0x1], $0xffff;
	s15 =	smov.u32 s10  }
.LBB1_4:
0x29: {  	p1 =	sne.s32 s16, $0xE00;
	v7 =	vld.idx.msk [tilespmem:v0+s14+$0x30 ss:$0x1], $0xffff;
	[tilespmem:s15+$0xFFFFFFD0] =	vst v5  }
0x2a: {  	v8 =	vld.idx.msk [tilespmem:v0+s14+$0xFFFFFFC0 ss:$0x1], $0xffff;
	[tilespmem:s15+$0xFFFFFFE0] =	vst v4  }
0x2b: {  	v5 =	vld.idx.msk [tilespmem:v0+s14+$0xFFFFFFD0 ss:$0x1], $0xffff;
	[tilespmem:s15+$0xFFFFFFF0] =	vst v3  }
.Ltmp3:
0x2c: {  	v4 =	vld.idx.msk [tilespmem:v0+s14+$0xFFFFFFE0 ss:$0x1], $0xffff;
	[tilespmem:s15+$0x0] =	vst v1;
	(pc) =	sbr.rel @p1 .LBB1_4-.Ltmp3, $4  }
0x2d: {  	v3 =	vld.idx.msk [tilespmem:v0+s14+$0xFFFFFFF0 ss:$0x1], $0xffff;
	[tilespmem:s15+$0x10] =	vst v2  }
0x2e: {  	v1 =	vld.idx.msk [tilespmem:v0+s14+$0x0 ss:$0x1], $0xffff;
	[tilespmem:s15+$0x20] =	vst v6;
	s15 =	sadd.s32 $0x800, s15  }
0x2f: {  	v2 =	vld.idx.msk [tilespmem:v0+s14+$0x10 ss:$0x1], $0xffff;
	[tilespmem:s15+$0x30] =	vst v7  }
0x30: {  	[tilespmem:s15+$0xFFFFFFC0] =	vst v8;
	v6 =	vld.idx.msk [tilespmem:v0+s14+$0x20 ss:$0x1], $0xffff;
	s14 =	sshra.s32 s16, $0x2;
	s16 =	sadd.s32 $0x200, s16  }
0x31: {  	_ =	sdelay $0x2  }
0x32: {  	[tilespmem:s15+$0xFFFFFFD0] =	vst v5  }
0x33: {  	v56 =	vld.idx.msk [tilespmem:v0+s14+$0x30 ss:$0x1], $0xffff;
	[tilespmem:s15+$0xFFFFFFE0] =	vst v4  }
0x34: {  	v57 =	vld.idx.msk [tilespmem:v0+s14+$0xFFFFFFC0 ss:$0x1], $0xffff;
	[tilespmem:s15+$0xFFFFFFF0] =	vst v3  }
0x35: {  	v58 =	vld.idx.msk [tilespmem:v0+s14+$0xFFFFFFD0 ss:$0x1], $0xffff;
	[tilespmem:s15+$0x0] =	vst v1  }
0x36: {  	v59 =	vld.idx.msk [tilespmem:v0+s14+$0xFFFFFFE0 ss:$0x1], $0xffff;
	[tilespmem:s15+$0x10] =	vst v2  }
0x37: {  	v60 =	vld.idx.msk [tilespmem:v0+s14+$0xFFFFFFF0 ss:$0x1], $0xffff;
	s31 =	sadd.s32 $0x800, s15;
	[tilespmem:s15+$0x20] =	vst v6  }
0x38: {  	v61 =	vld.idx.msk [tilespmem:v0+s14+$0x0 ss:$0x1], $0xffff;
	[tilespmem:s31+$0x30] =	vst v56  }
0x39: {  	v62 =	vld.idx.msk [tilespmem:v0+s14+$0x10 ss:$0x1], $0xffff;
	s13 =	sadd.s32 $0x1, s13;
	[tilespmem:s31+$0xFFFFFFC0] =	vst v57  }
0x3a: {  	v63 =	vld.idx.msk [tilespmem:v0+s14+$0x20 ss:$0x1], $0xffff;
	p1 =	sne.s32 s13, $0x10;
	[tilespmem:s31+$0xFFFFFFD0] =	vst v58  }
.Ltmp4:
0x3b: {  	[tilespmem:s31+$0xFFFFFFE0] =	vst v59;
	(pc) =	sbr.rel @p1 .LBB1_3-.Ltmp4, $4  }
0x3c: {  	[tilespmem:s31+$0xFFFFFFF0] =	vst v60  }
0x3d: {  	[tilespmem:s31+$0x0] =	vst v61  }
0x3e: {  	[tilespmem:s31+$0x10] =	vst v62  }
0x3f: {  	s10 =	sadd.s32 $0x80, s10;
	s11 =	sadd.s32 $0x400, s11;
	[tilespmem:s31+$0x20] =	vst v63  }
.Ltmp5:
0x40: {  	(pc) =	sbr.rel .LBB1_7-.Ltmp5, $4  }
0x41: {  	_ = 	snop  }
0x42: {  	s9 =	sshll.u32 s9, $0xB  }
0x43: {  	s9 =	sadd.s32 s3, s9  }
0x44: {  	[hbm4b:s9+s6] =	stream.linear.scatter [tilespmem:s12], [sflag:$0x2], $0x4000, $0x38;
	[tilespmem:$0x10000] =	vst v63  }
.LBB1_8:
0x45: {  	_ =	sfence.sel $0x180000  }
0x46: {  	s2 =	simm.s32 $0x1;
	[bflag:$0x0] =	sbarrier.arrive $0xFFFF  }
0x47: {  	s31 =	simm.s32 $0x2;
	[sflag:s2] =	ssyncpa.u1 $0x1  }
0x48: {  	[sflag:s31] =	ssyncpa.u1 $0x1  }
0x49: {  	p0 =	sne.s32 s1, $0x0;
	_ =	strace $0x9000004A  }
0x4a: {  	s0 =	sadd.s32 @!p0 $0x100000, s0;
	[bflag:$0x2] =	sbarrier.arrive $0xFFFF  }
0x4b: {  	[sflag:s0] =	ssyncadd.tile.s32 @!p0 $0x1;
	_ =	shalt  }
.Lfunc_end1:
_tile_overlayer_lowered:
.L_overlay_start_2:
0x4c: {  	(tag) =	ssettag $0x2  }
0x4d: {  	s0 =	rddreg [dreg:$0x0];
	s2 =	stileid.u32  }
0x4e: {  	s1 =	rddreg [dreg:$0x1];
	p0 =	sne.s32 s2, $0x0  }
0x4f: {  	s3 =	rddreg [dreg:$0x2];
	[bflag:$0x3] =	sbarrier.arrive $0xFFFF;
	s2 =	simm.s32 @!p0 $0x1C01  }
0x50: {  	[timem:s3], [sflag:s2] =	dma.local @!p0 [hbm:s0], s1  }
0x51: {  	s0 =	simm.s32 @!p0 $0x1  }
0x52: {  	_ =	swait.ge @!p0 [sflag:s0], s1  }
0x53: {  	s1 =	ssub.s32 @!p0 $0x0, s1;
	[sflag:s0] =	ssyncset.done @!p0 $0x0  }
0x54: {  	[sflag:s0] =	ssyncadd.s32 @!p0 s1  }
0x55: {  	[bflag:$0x3] =	sbarrier.arrive $0xFFFF  }
0x56: {  	_ =	shalt  }

// kernel: sparse-core-data-format-call.cloned.1.call-start
scs
called_computation_lowered:
.L_overlay_start_0:
0x0: {  	s2 =	sld [smem:$0x3FD9]  }
0x1: {  	s3 =	sld [smem:$0x3FFE];
	_ =	sdelay $0x1  }
0x2: {  	s1 =	srdreg.scid  }
0x3: {  	s0 =	sand.u32 $0x1, s1  }
0x4: {  	s18 =	sshll.u32 s0, $0xA;
	s2 =	sadd.s32 s3, s2  }
0x5: {  	s2 =	sadd.s32 s2, s18  }
0x6: {  	[smem:$0x3FC6] =	sst s2  }
0x7: {  	_ = 	snop  }
0x8: {  	s2 =	sld [smem:$0x3FC8];
	(tm) =	ssettm $0x1  }
0x9: {  	s19 =	sld [smem:$0x3FFB];
	_ =	sdelay $0x3  }
0xa: {  	_ =	strace s19  }
0xb: {  	s3 =	sld [smem:$0x3FFC];
	_ =	sdelay $0x3  }
0xc: {  	_ =	strace s3  }
0xd: {  	s3 =	sld [smem:$0x3FFD];
	_ =	sdelay $0x3  }
0xe: {  	_ =	strace s3  }
0xf: {  	_ =	strace $0x8FFFFFFF  }
0x10: {  	s20 =	sld [smem:$0x3FDB];
	_ =	sdelay $0x1  }
0x11: {  	s4 =	simm.s32 $_scs_section_size  }
0x12: {  	s5 =	simm.s32 $_size__tile_overlayer_lowered;
	s6 =	simm.s32 $_tile_overlayer_lowered  }
0x13: {  	s23 =	simm.s32 $0x1BFF;
	s22 =	sshll.u32 s6, $0x1;
	s3 =	sadd.s32 s4, s20  }
0x14: {  	s7 =	simm.s32 $0x0;
	s21 =	sshll.u32 s5, $0x1;
	s5 =	sadd.s32 s22, s3  }
0x15: {  	[timem:s7], [sflag:s23] =	dma.local [hbm:s5], s21  }
0x16: {  	_ =	swait.ge [sflag:s23], s21  }
0x17: {  	s4 =	ssub.s32 $0x0, s21;
	[sflag:s23] =	ssyncset.done $0x0  }
0x18: {  	[sflag:s23] =	ssyncadd.s32 s4;
	_ =	sdelay $0x1  }
0x19: {  	s24 =	simm.s32 $0x1B8B  }
0x1a: {  	_ =	swait.ge [sflag:s24], $0x1  }
0x1b: {  	[sflag:s24] =	ssyncset.done $0x0  }
0x1c: {  	s26 =	simm.s32 $0x1B8E;
	s25 =	sld [smem:$0x3FFE];
	[sflag:s24] =	ssyncadd.s32 $0xFFFFFFFF  }
0x1d: {  	s27 =	simm.s32 $execute0_lowered;
	[smem:$0x3FD2] =	sst s26  }
0x1e: {  	s5 =	sshll.u32 s27, $0x1;
	_ =	strace $0x80000046;
	[dreg:$0x1] =	wrdreg $0xFFFFFFFF  }
0x1f: {  	s28 =	simm.s32 $_size_execute0_lowered;
	s3 =	sadd.s32 s3, s5;
	[dreg:$0x0] =	wrdreg $0x0  }
0x20: {  	s5 =	sshll.u32 s28, $0x1;
	[dreg:$0x2] =	wrdreg s3  }
0x21: {  	[dreg:$0x3] =	wrdreg s5  }
0x22: {  	[dreg:$0x4] =	wrdreg $0xC0  }
0x23: {  	_ =	task [dreg:s7], $0x5FFFF  }
0x24: {  	[dreg:$0x1] =	wrdreg $0xFFFFFFFF  }
0x25: {  	[dreg:$0x0] =	wrdreg $0x60  }
0x26: {  	[dreg:$0x2] =	wrdreg s2  }
0x27: {  	[dreg:$0x3] =	wrdreg s25  }
0x28: {  	[dreg:$0x4] =	wrdreg $0x9  }
0x29: {  	_ =	task.clear_ibuf [dreg:s7], $0x5FFFF;
	_ =	strace $0x90000046  }
0x2a: {  	s29 =	simm.s32 $0x9;
	_ =	strace $0x80000048  }
0x2b: {  	_ =	swait.ge [sflag:s29], $0x1  }
0x2c: {  	[sflag:s29] =	ssyncadd.s32 $0xFFFFFFFF  }
0x2d: {  	_ =	strace $0x90000048  }
0x2e: {  	_ =	sfence  }
0x2f: {  	s30 =	sld [smem:$0x0];
	_ =	sdelay $0x2  }
0x30: {  	s31 =	sshll.u32 s1, $0xD;
	s1 =	sshrl.u32 s1, $0x2  }
0x31: {  	s3 =	sand.u32 $0x4000, s31;
	s1 =	sadd.s32 s1, s30  }
0x32: {  	s0 =	sor.u32 s3, s0;
	s1 =	sshll.u32 s1, $0x11  }
0x33: {  	s0 =	sor.u32 s1, s0  }
0x34: {  	s0 =	sadd.s32 $0x8F2B, s0  }
0x35: {  	[sflag:s0] =	ssyncadd.remote.s32 $0x1  }
0x36: {  	_ =	sfence.sel $0xFFFF  }
0x37: {  	[dreg:$0x0] =	wrdreg $0xFFFFFFFF;
	(pc) =	sbr.abs _section_cstart, $3  }
0x38: {  	[dreg:$0x1] =	wrdreg $0xFFFFFFFF  }
0x39: {  	_ =	task.clear_ibuf [dreg:s7], $0x2FFFF;
	_ =	strace $0x9FFFFFFF  }
0x3a: {  	(tm) =	ssettm $0x7FFFFFFF  }
0x3b: {  	_ =	shalt  }
tec
execute0_lowered:
.L_overlay_start_1:
0x0: {  	(tag) =	ssettag $0x1  }
0x1: {  	s2 =	rddreg [dreg:$0x0]  }
0x2: {  	s1 =	rddreg [dreg:$0x1]  }
0x3: {  	s0 =	rddreg [dreg:$0x2];
	_ =	strace $0x80000047;
	s4 =	srdreg.scid  }
.Ltmp0:
0x4: {  	s6 =	simm.s32 $0x2;
	p0 =	por $0x0, $0x0;
	(pc) =	sbr.rel .LBB1_1-.Ltmp0, $4  }
0x5: {  	s9 =	simm.s32 $0x0;
	s3 =	sadd.s32 $0xC00, s1;
	s5 =	sshll.u32 s4, $0x4  }
0x6: {  	s1 =	stileid.u32;
	s4 =	simm.s32 $0x1;
	s5 =	sand.u32 $0x10, s5  }
0x7: {  	s7 =	simm.s32 $0x0;
	[sflag:s4] =	ssyncpa.u1 $0x0;
	s5 =	sor.u32 s1, s5  }
0x8: {  	[sflag:s6] =	ssyncpa.u1 $0x0;
	s6 =	simm.s32 $0x0;
	s8 =	smov.u32 s5  }
.LBB1_7:
0x9: {  	s11 =	sadd.s32 $0x20, s8  }
0xa: {  	p1 =	slt.u32 s7, $0x2;
	s7 =	sadd.s32 $0x1, s7;
	p2 =	sgt.s32 s11, $0x3FF  }
0xb: {  	s11 =	smov.u32 @p2 s5;
	p2 =	sne.s32 s7, $0x22  }
.Ltmp1:
0xc: {  	_ = 	snop;
	(pc) =	sbr.rel @!p2 .LBB1_8-.Ltmp1, $4  }
0xd: {  	s10 =	simm.s32 @!p1 $0x2  }
0xe: {  	_ =	swait.ge @!p1 [sflag:s10], $0x4000  }
0xf: {  	s9 =	smov.u32 s8;
	[sflag:s10] =	ssyncset.done @!p1 $0x0  }
0x10: {  	p0 =	por !p0, !p0;
	s8 =	smov.u32 s11;
	[sflag:s10] =	ssyncadd.s32 @!p1 $0xFFFFC000  }
.LBB1_1:
0x11: {  	p1 =	sgt.u32 s7, $0x1F  }
0x12: {  	s10 =	sxor.u32 @!p1 $0xFFFFFFFF, s7  }
0x13: {  	s11 =	sshll.u32 @!p1 s8, $0xB;
	s10 =	sshll.u32 @!p1 s10, $0xE  }
0x14: {  	s12 =	simm.s32 @!p1 $0x0;
	s11 =	sadd.s32 @!p1 s2, s11;
	s10 =	sand.u32 @!p1 $0x4000, s10  }
0x15: {  	[tilespmem:s10], [sflag:$0x1] =	stream.linear.gather @!p1 [hbm4b:s11+s12], $0x4000, $0x38;
	[tilespmem:$0x10000] =	vst v63  }
0x16: {  	p1 =	seq.s32 s7, $0x0  }
0x17: {  	p2 =	seq.s32 @!p1 s7, $0x21  }
0x18: {  	p1 =	por p1, p2  }
.Ltmp2:
0x19: {  	_ = 	snop;
	(pc) =	sbr.rel @p1 .LBB1_7-.Ltmp2, $1  }
0x1a: {  	_ =	sdelay $0x3  }
0x1b: {  	s10 =	simm.s32 $0x1;
	_ =	swait.ge [sflag:s4], $0x4000;
	s12 =	sshll.u32 s7, $0xE  }
0x1c: {  	s13 =	simm.s32 $0x0;
	s10 =	simm.s32 @!p0 $0x0;
	[sflag:s4] =	ssyncset.done $0x0  }
0x1d: {  	s12 =	sand.u32 $0x4000, s12;
	s11 =	sshll.u32 s10, $0xE;
	[sflag:s4] =	ssyncadd.s32 $0xFFFFC000  }
0x1e: {  	s12 =	sor.u32 $0x8000, s12;
	s10 =	sor.u32 $0x8040, s11;
	s11 =	sor.u32 $0x40, s11  }
.LBB1_3:
0x1f: {  	v0 =	vmov s11;
	_ =	sdelay $0x3  }
0x20: {  	s15 =	simm.s32 $0x0  }
0x21: {  	v6 =	vld.idx.msk [tilespmem:v0+s15+$0x30 ss:$0x1], $0xffff  }
0x22: {  	v7 =	vld.idx.msk [tilespmem:v0+s15+$0xFFFFFFC0 ss:$0x1], $0xffff  }
0x23: {  	v5 =	vld.idx.msk [tilespmem:v0+s15+$0xFFFFFFD0 ss:$0x1], $0xffff  }
0x24: {  	v4 =	vld.idx.msk [tilespmem:v0+s15+$0xFFFFFFE0 ss:$0x1], $0xffff  }
0x25: {  	v3 =	vld.idx.msk [tilespmem:v0+s15+$0xFFFFFFF0 ss:$0x1], $0xffff  }
0x26: {  	v1 =	vld.idx.msk [tilespmem:v0+s15+$0x0 ss:$0x1], $0xffff  }
0x27: {  	v2 =	vld.idx.msk [tilespmem:v0+s15+$0x10 ss:$0x1], $0xffff;
	[tilespmem:s10+$0x30] =	vst v6  }
0x28: {  	s14 =	simm.s32 $0x80;
	s16 =	simm.s32 $0x400;
	[tilespmem:s10+$0xFFFFFFC0] =	vst v7;
	v6 =	vld.idx.msk [tilespmem:v0+s15+$0x20 ss:$0x1], $0xffff;
	s15 =	smov.u32 s10  }
.LBB1_4:
0x29: {  	p1 =	sne.s32 s16, $0xE00;
	v7 =	vld.idx.msk [tilespmem:v0+s14+$0x30 ss:$0x1], $0xffff;
	[tilespmem:s15+$0xFFFFFFD0] =	vst v5  }
0x2a: {  	v8 =	vld.idx.msk [tilespmem:v0+s14+$0xFFFFFFC0 ss:$0x1], $0xffff;
	[tilespmem:s15+$0xFFFFFFE0] =	vst v4  }
0x2b: {  	v5 =	vld.idx.msk [tilespmem:v0+s14+$0xFFFFFFD0 ss:$0x1], $0xffff;
	[tilespmem:s15+$0xFFFFFFF0] =	vst v3  }
.Ltmp3:
0x2c: {  	v4 =	vld.idx.msk [tilespmem:v0+s14+$0xFFFFFFE0 ss:$0x1], $0xffff;
	[tilespmem:s15+$0x0] =	vst v1;
	(pc) =	sbr.rel @p1 .LBB1_4-.Ltmp3, $4  }
0x2d: {  	v3 =	vld.idx.msk [tilespmem:v0+s14+$0xFFFFFFF0 ss:$0x1], $0xffff;
	[tilespmem:s15+$0x10] =	vst v2  }
0x2e: {  	v1 =	vld.idx.msk [tilespmem:v0+s14+$0x0 ss:$0x1], $0xffff;
	[tilespmem:s15+$0x20] =	vst v6;
	s15 =	sadd.s32 $0x800, s15  }
0x2f: {  	v2 =	vld.idx.msk [tilespmem:v0+s14+$0x10 ss:$0x1], $0xffff;
	[tilespmem:s15+$0x30] =	vst v7  }
0x30: {  	[tilespmem:s15+$0xFFFFFFC0] =	vst v8;
	v6 =	vld.idx.msk [tilespmem:v0+s14+$0x20 ss:$0x1], $0xffff;
	s14 =	sshra.s32 s16, $0x2;
	s16 =	sadd.s32 $0x200, s16  }
0x31: {  	_ =	sdelay $0x2  }
0x32: {  	[tilespmem:s15+$0xFFFFFFD0] =	vst v5  }
0x33: {  	v56 =	vld.idx.msk [tilespmem:v0+s14+$0x30 ss:$0x1], $0xffff;
	[tilespmem:s15+$0xFFFFFFE0] =	vst v4  }
0x34: {  	v57 =	vld.idx.msk [tilespmem:v0+s14+$0xFFFFFFC0 ss:$0x1], $0xffff;
	[tilespmem:s15+$0xFFFFFFF0] =	vst v3  }
0x35: {  	v58 =	vld.idx.msk [tilespmem:v0+s14+$0xFFFFFFD0 ss:$0x1], $0xffff;
	[tilespmem:s15+$0x0] =	vst v1  }
0x36: {  	v59 =	vld.idx.msk [tilespmem:v0+s14+$0xFFFFFFE0 ss:$0x1], $0xffff;
	[tilespmem:s15+$0x10] =	vst v2  }
0x37: {  	v60 =	vld.idx.msk [tilespmem:v0+s14+$0xFFFFFFF0 ss:$0x1], $0xffff;
	s31 =	sadd.s32 $0x800, s15;
	[tilespmem:s15+$0x20] =	vst v6  }
0x38: {  	v61 =	vld.idx.msk [tilespmem:v0+s14+$0x0 ss:$0x1], $0xffff;
	[tilespmem:s31+$0x30] =	vst v56  }
0x39: {  	v62 =	vld.idx.msk [tilespmem:v0+s14+$0x10 ss:$0x1], $0xffff;
	s13 =	sadd.s32 $0x1, s13;
	[tilespmem:s31+$0xFFFFFFC0] =	vst v57  }
0x3a: {  	v63 =	vld.idx.msk [tilespmem:v0+s14+$0x20 ss:$0x1], $0xffff;
	p1 =	sne.s32 s13, $0x10;
	[tilespmem:s31+$0xFFFFFFD0] =	vst v58  }
.Ltmp4:
0x3b: {  	[tilespmem:s31+$0xFFFFFFE0] =	vst v59;
	(pc) =	sbr.rel @p1 .LBB1_3-.Ltmp4, $4  }
0x3c: {  	[tilespmem:s31+$0xFFFFFFF0] =	vst v60  }
0x3d: {  	[tilespmem:s31+$0x0] =	vst v61  }
0x3e: {  	[tilespmem:s31+$0x10] =	vst v62  }
0x3f: {  	s10 =	sadd.s32 $0x80, s10;
	s11 =	sadd.s32 $0x400, s11;
	[tilespmem:s31+$0x20] =	vst v63  }
.Ltmp5:
0x40: {  	(pc) =	sbr.rel .LBB1_7-.Ltmp5, $4  }
0x41: {  	_ = 	snop  }
0x42: {  	s9 =	sshll.u32 s9, $0xB  }
0x43: {  	s9 =	sadd.s32 s3, s9  }
0x44: {  	[hbm4b:s9+s6] =	stream.linear.scatter [tilespmem:s12], [sflag:$0x2], $0x4000, $0x38;
	[tilespmem:$0x10000] =	vst v63  }
.LBB1_8:
0x45: {  	_ =	sfence.sel $0x180000  }
0x46: {  	s2 =	simm.s32 $0x1;
	[bflag:$0x0] =	sbarrier.arrive $0xFFFF  }
0x47: {  	s31 =	simm.s32 $0x2;
	[sflag:s2] =	ssyncpa.u1 $0x1  }
0x48: {  	[sflag:s31] =	ssyncpa.u1 $0x1  }
0x49: {  	p0 =	sne.s32 s1, $0x0;
	_ =	strace $0x90000047  }
0x4a: {  	s0 =	sadd.s32 @!p0 $0x100000, s0;
	[bflag:$0x2] =	sbarrier.arrive $0xFFFF  }
0x4b: {  	[sflag:s0] =	ssyncadd.tile.s32 @!p0 $0x1;
	_ =	shalt  }
.Lfunc_end1:
_tile_overlayer_lowered:
.L_overlay_start_2:
0x4c: {  	(tag) =	ssettag $0x2  }
0x4d: {  	s0 =	rddreg [dreg:$0x0];
	s2 =	stileid.u32  }
0x4e: {  	s1 =	rddreg [dreg:$0x1];
	p0 =	sne.s32 s2, $0x0  }
0x4f: {  	s3 =	rddreg [dreg:$0x2];
	[bflag:$0x3] =	sbarrier.arrive $0xFFFF;
	s2 =	simm.s32 @!p0 $0x1C01  }
0x50: {  	[timem:s3], [sflag:s2] =	dma.local @!p0 [hbm:s0], s1  }
0x51: {  	s0 =	simm.s32 @!p0 $0x1  }
0x52: {  	_ =	swait.ge @!p0 [sflag:s0], s1  }
0x53: {  	s1 =	ssub.s32 @!p0 $0x0, s1;
	[sflag:s0] =	ssyncset.done @!p0 $0x0  }
0x54: {  	[sflag:s0] =	ssyncadd.s32 @!p0 s1  }
0x55: {  	[bflag:$0x3] =	sbarrier.arrive $0xFFFF  }
0x56: {  	_ =	shalt  }

</sc_bundles>
